<compile_context>
chip_gen: v7x
topology: tpu7x:2x2x1
jax: 0.10.2.dev20260603
libtpu: 0.0.44.dev20260713+nightly
codegen_flags: <defaults>
</compile_context>

<pallas_src>
import functools

import jax
import jax.numpy as jnp
from jax import lax
from jax.experimental import pallas as pl
from jax.experimental.pallas import tpu as pltpu
from jax.experimental.pallas import tpu_sc as plsc

_NC, _NS = 2, 16
_NW = _NC * _NS
_CH = 80
_DP = 384


def _gather_sc(table, idx):
    vocab, d = table.shape
    assert d == 300
    bt = idx.shape[0]
    b_per_w = bt // _NW
    n_chunks = b_per_w // _CH
    assert b_per_w % _CH == 0 and n_chunks >= 4

    mesh = plsc.VectorSubcoreMesh(core_axis_name="c", subcore_axis_name="s")

    @functools.partial(
        pl.kernel,
        out_type=jax.ShapeDtypeStruct((bt, _DP), jnp.float32),
        mesh=mesh,
        scratch_types=[
            pltpu.VMEM((b_per_w,), jnp.int32),
            pltpu.VMEM((4, _CH, _DP), jnp.float32),
            pltpu.SemaphoreType.DMA,
            pltpu.SemaphoreType.DMA,
        ],
    )
    def k(table_hbm, idx_hbm, out_hbm, idx_v, rows_v, gsem, wsem):
        wid = lax.axis_index("s") * _NC + lax.axis_index("c")
        base = wid * b_per_w
        pltpu.sync_copy(idx_hbm.at[pl.ds(base, b_per_w)], idx_v)

        def start_gather(j, slot):
            ids = idx_v.at[pl.ds(j * _CH, _CH)]
            off0 = pl.multiple_of(jnp.full((), 0, jnp.int32), 128)
            pltpu.async_copy(table_hbm.at[ids, pl.ds(off0, _DP)],
                             rows_v.at[slot], gsem)

        def wait_gather(slot):
            pltpu.make_async_copy(
                table_hbm.at[idx_v.at[pl.ds(0, _CH)], pl.ds(0, _DP)],
                rows_v.at[slot], gsem).wait()

        def wait_writeback(slot):
            pltpu.make_async_copy(
                rows_v.at[slot], out_hbm.at[pl.ds(base, _CH)], wsem).wait()

        for p in range(3):
            start_gather(p, p)

        def body(j, carry):
            slot = lax.rem(j, 4)
            pslot = lax.rem(j + 3, 4)

            @pl.when(jnp.logical_and(j + 3 < n_chunks, j >= 1))
            def _():
                wait_writeback(pslot)

            @pl.when(j + 3 < n_chunks)
            def _():
                start_gather(j + 3, pslot)

            wait_gather(slot)
            pltpu.async_copy(rows_v.at[slot],
                             out_hbm.at[pl.ds(base + j * _CH, _CH)], wsem)
            return carry

        lax.fori_loop(0, n_chunks, body, 0)
        for p in range(4):
            wait_writeback(p)

    return k(table, idx)


def _project_tc(emb, w, b2d, batch, hist):
    m, kdim = emb.shape
    n = w.shape[1]
    kw = w.shape[0]
    bb = 64
    assert batch % bb == 0 and m == batch * hist

    def mk(e_ref, w_ref, b_ref, o_ref):
        w16 = w_ref[...].astype(jnp.bfloat16)
        for t in range(bb):
            o_ref[t] = (
                jnp.dot(
                    e_ref[pl.ds(t * hist, hist), pl.ds(0, kw)].astype(jnp.bfloat16),
                    w16, preferred_element_type=jnp.float32)
                + b_ref[...]
            )

    return pl.pallas_call(
        mk,
        grid=(batch // bb,),
        in_specs=[
            pl.BlockSpec((bb * hist, kdim), lambda i: (i, 0)),
            pl.BlockSpec((kw, n), lambda i: (0, 0)),
            pl.BlockSpec((1, n), lambda i: (0, 0)),
        ],
        out_specs=pl.BlockSpec((bb, hist, n), lambda i: (i, 0, 0)),
        out_shape=jax.ShapeDtypeStruct((batch, hist, n), jnp.float32),
    )(emb, w, b2d)


def kernel(x, glove_table, W, b):
    batch, hist = x.shape
    n = W.shape[1]
    idx = x.astype(jnp.int32).reshape(-1)
    emb = _gather_sc(glove_table, idx)
    return _project_tc(emb, W, b.reshape(1, n), batch, hist)

# --- scband reference (transcript-rebuilt; emitter-appended) ---
"""Pipeline reference for scband-glove-embedding-8727373546130 (READ-ONLY COPY).

The authoritative reference and input builder live on the scoring server;
editing this copy changes nothing except your own understanding.
"""

import jax, jax.numpy as jnp
import numpy as np

VOCAB = 100000
GLOVE_DIM = 300
D_MODEL = 768
BATCH = 1024
HIST = 50


def setup_inputs(seed: int = 0) -> dict:
    key = jax.random.key(seed)
    k1, k2, k3 = jax.random.split(key, 3)
    x = jax.random.randint(k1, (BATCH, HIST), 0, VOCAB, dtype=jnp.int32)
    # Frozen GloVe embedding table (stand-in for np.load of pretrained dict)
    glove_table = jax.random.normal(k2, (VOCAB, GLOVE_DIM), dtype=jnp.float32) * 0.1
    # nn.Linear(glove_dim, d_model) parameters
    W = jax.random.normal(k3, (GLOVE_DIM, D_MODEL), dtype=jnp.float32) * (1.0 / np.sqrt(GLOVE_DIM))
    b = jnp.zeros((D_MODEL,), dtype=jnp.float32)
    return {"x": x, "glove_table": glove_table, "W": W, "b": b}


def reference(x, glove_table, W, b):
    batch_size = x.shape[0]
    idx = x.astype(jnp.int32).reshape(-1)
    # torch.index_select(self.dict, 0, x) -> gather rows
    emb = jnp.take(glove_table, idx, axis=0).reshape(batch_size, -1, GLOVE_DIM)
    # self.pro(...) -> linear projection
    out = jnp.dot(emb, W) + b
    return out

if __name__ == "__main__":
    import jax
    _d = setup_inputs()
    print(jax.jit(kernel)(*tuple(_d.values())))

</pallas_src>

<mosaic_0001>
#map = affine_map<(d0, d1) -> (0, 0)>
#map1 = affine_map<(d0, d1) -> (0)>
module attributes {stable_mosaic.version = 14 : i64} {
  func.func @k(%arg0: i32, %arg1: i32, %arg2: memref<100000x300xf32, #tpu.memory_space<hbm>>, %arg3: memref<51200xi32, #tpu.memory_space<hbm>>, %arg4: memref<51200x384xf32, #tpu.memory_space<hbm>>, %arg5: memref<1600xi32, #tpu.memory_space<vmem>>, %arg6: memref<4x80x384xf32, #tpu.memory_space<vmem>>, %arg7: memref<!tpu.dma_semaphore, #tpu.memory_space<semaphore_mem>>, %arg8: memref<!tpu.dma_semaphore, #tpu.memory_space<semaphore_mem>>) attributes {dimension_semantics = [#tpu.dimension_semantics<core_parallel>, #tpu.dimension_semantics<subcore_parallel>], iteration_bounds = array<i64: 2, 16>, scalar_prefetch = 0 : i64, scratch_operands = 4 : i64, tpu.core_type = #tpu.core_type<sc_vector_subcore>, window_params = [{transform_indices = #map}, {transform_indices = #map1}, {transform_indices = #map}]} {
    %mul3A = arith.constant 2 : i32
    %mul3A_0 = arith.muli %arg1, %mul3A : i32
    %add3A = arith.addi %mul3A_0, %arg0 : i32
    %mul3A_1 = arith.constant 1600 : i32
    %mul3A_2 = arith.muli %add3A, %mul3A_1 : i32
    "tpu.region"() ({
      %run_scoped3A = tpu.sem_alloc : memref<!tpu.dma_semaphore, #tpu.memory_space<semaphore_mem>>
      %dma_start3A_90 = tpu.memref_slice %arg3[%mul3A_2] : memref<51200xi32, #tpu.memory_space<hbm>> -> memref<1600xi32, #tpu.memory_space<hbm>>
      %dma_start3A_91 = tpu.memref_slice %arg3[%mul3A_2] : memref<51200xi32, #tpu.memory_space<hbm>> -> memref<1600xi32, #tpu.memory_space<hbm>>
      tpu.enqueue_dma source(%dma_start3A_91 : memref<1600xi32, #tpu.memory_space<hbm>>) target(%arg5 : memref<1600xi32, #tpu.memory_space<vmem>>) target_semaphore(%run_scoped3A : memref<!tpu.dma_semaphore, #tpu.memory_space<semaphore_mem>>)
      %dma_wait3A_92 = tpu.memref_slice %arg3[%mul3A_2] : memref<51200xi32, #tpu.memory_space<hbm>> -> memref<1600xi32, #tpu.memory_space<hbm>>
      %dma_wait3A_93 = tpu.memref_slice %arg3[%mul3A_2] : memref<51200xi32, #tpu.memory_space<hbm>> -> memref<1600xi32, #tpu.memory_space<hbm>>
      tpu.wait_dma2 semaphore(%run_scoped3A : memref<!tpu.dma_semaphore, #tpu.memory_space<semaphore_mem>>) src(%dma_wait3A_93 : memref<1600xi32, #tpu.memory_space<hbm>>) dst(%arg5 : memref<1600xi32, #tpu.memory_space<vmem>>)
      tpu.yield
    }) : () -> ()
    %multiple_of3A = arith.constant 0 : i32
    %multiple_of3A_3 = tpu.assume_multiple %multiple_of3A, 128 : i32
    %dma_start3A = arith.constant 0 : i32
    %dma_start3A_4 = arith.constant 0 : i32
    %dma_start3A_5 = arith.constant 0 : i32
    %dma_start3A_6 = tpu.memref_slice %arg6[%dma_start3A, %dma_start3A_4, %dma_start3A_5] : memref<4x80x384xf32, #tpu.memory_space<vmem>> -> memref<1x80x384xf32, #tpu.memory_space<vmem>>
    %dma_start3A_7 = tpu.memref_squeeze %dma_start3A_6 : memref<1x80x384xf32, #tpu.memory_space<vmem>> -> memref<80x384xf32, #tpu.memory_space<vmem>>
    %dma_start3A_8 = arith.constant 0 : i32
    %dma_start3A_9 = tpu.memref_slice %arg5[%dma_start3A_8] : memref<1600xi32, #tpu.memory_space<vmem>> -> memref<80xi32, #tpu.memory_space<vmem>>
    %dma_start3A_10 = arith.constant 0 : i32
    %dma_start3A_11 = tpu.memref_slice %arg2[%dma_start3A_10, %multiple_of3A_3] : memref<100000x300xf32, #tpu.memory_space<hbm>> -> memref<100000x384xf32, #tpu.memory_space<hbm>>
    tpu.enqueue_indirect_dma source(%dma_start3A_11 : memref<100000x384xf32, #tpu.memory_space<hbm>>) target(%dma_start3A_7 : memref<80x384xf32, #tpu.memory_space<vmem>>) offsets(%dma_start3A_9 : memref<80xi32, #tpu.memory_space<vmem>>) semaphore(%arg7 : memref<!tpu.dma_semaphore, #tpu.memory_space<semaphore_mem>>)
    %multiple_of3A_12 = arith.constant 0 : i32
    %multiple_of3A_13 = tpu.assume_multiple %multiple_of3A_12, 128 : i32
    %dma_start3A_14 = arith.constant 1 : i32
    %dma_start3A_15 = arith.constant 0 : i32
    %dma_start3A_16 = arith.constant 0 : i32
    %dma_start3A_17 = tpu.memref_slice %arg6[%dma_start3A_14, %dma_start3A_15, %dma_start3A_16] : memref<4x80x384xf32, #tpu.memory_space<vmem>> -> memref<1x80x384xf32, #tpu.memory_space<vmem>>
    %dma_start3A_18 = tpu.memref_squeeze %dma_start3A_17 : memref<1x80x384xf32, #tpu.memory_space<vmem>> -> memref<80x384xf32, #tpu.memory_space<vmem>>
    %dma_start3A_19 = arith.constant 80 : i32
    %dma_start3A_20 = tpu.memref_slice %arg5[%dma_start3A_19] : memref<1600xi32, #tpu.memory_space<vmem>> -> memref<80xi32, #tpu.memory_space<vmem>>
    %dma_start3A_21 = arith.constant 0 : i32
    %dma_start3A_22 = tpu.memref_slice %arg2[%dma_start3A_21, %multiple_of3A_13] : memref<100000x300xf32, #tpu.memory_space<hbm>> -> memref<100000x384xf32, #tpu.memory_space<hbm>>
    tpu.enqueue_indirect_dma source(%dma_start3A_22 : memref<100000x384xf32, #tpu.memory_space<hbm>>) target(%dma_start3A_18 : memref<80x384xf32, #tpu.memory_space<vmem>>) offsets(%dma_start3A_20 : memref<80xi32, #tpu.memory_space<vmem>>) semaphore(%arg7 : memref<!tpu.dma_semaphore, #tpu.memory_space<semaphore_mem>>)
    %multiple_of3A_23 = arith.constant 0 : i32
    %multiple_of3A_24 = tpu.assume_multiple %multiple_of3A_23, 128 : i32
    %dma_start3A_25 = arith.constant 2 : i32
    %dma_start3A_26 = arith.constant 0 : i32
    %dma_start3A_27 = arith.constant 0 : i32
    %dma_start3A_28 = tpu.memref_slice %arg6[%dma_start3A_25, %dma_start3A_26, %dma_start3A_27] : memref<4x80x384xf32, #tpu.memory_space<vmem>> -> memref<1x80x384xf32, #tpu.memory_space<vmem>>
    %dma_start3A_29 = tpu.memref_squeeze %dma_start3A_28 : memref<1x80x384xf32, #tpu.memory_space<vmem>> -> memref<80x384xf32, #tpu.memory_space<vmem>>
    %dma_start3A_30 = arith.constant 160 : i32
    %dma_start3A_31 = tpu.memref_slice %arg5[%dma_start3A_30] : memref<1600xi32, #tpu.memory_space<vmem>> -> memref<80xi32, #tpu.memory_space<vmem>>
    %dma_start3A_32 = arith.constant 0 : i32
    %dma_start3A_33 = tpu.memref_slice %arg2[%dma_start3A_32, %multiple_of3A_24] : memref<100000x300xf32, #tpu.memory_space<hbm>> -> memref<100000x384xf32, #tpu.memory_space<hbm>>
    tpu.enqueue_indirect_dma source(%dma_start3A_33 : memref<100000x384xf32, #tpu.memory_space<hbm>>) target(%dma_start3A_29 : memref<80x384xf32, #tpu.memory_space<vmem>>) offsets(%dma_start3A_31 : memref<80xi32, #tpu.memory_space<vmem>>) semaphore(%arg7 : memref<!tpu.dma_semaphore, #tpu.memory_space<semaphore_mem>>)
    %scan3A = arith.constant 0 : i32
    %scan3A_34 = arith.constant 0 : i32
    %scan3A_35 = arith.constant 20 : i32
    %scan3A_36 = arith.addi %scan3A_34, %scan3A_35 : i32
    %scan3A_37 = arith.constant 1 : i32
    scf.for %scan3A_90 = %scan3A_34 to %scan3A_36 step %scan3A_37  : i32 {
      %rem3A = arith.constant 4 : i32
      %rem3A_91 = arith.remsi %scan3A_90, %rem3A : i32
      %add3A_92 = arith.constant 3 : i32
      %add3A_93 = arith.addi %scan3A_90, %add3A_92 : i32
      %rem3A_94 = arith.constant 4 : i32
      %rem3A_95 = arith.remsi %add3A_93, %rem3A_94 : i32
      %add3A_96 = arith.constant 3 : i32
      %add3A_97 = arith.addi %scan3A_90, %add3A_96 : i32
      %lt3A = arith.constant 20 : i32
      %lt3A_98 = arith.cmpi slt, %add3A_97, %lt3A : i32
      %ge3A = arith.constant 1 : i32
      %ge3A_99 = arith.cmpi sge, %scan3A_90, %ge3A : i32
      %and3A = arith.andi %lt3A_98, %ge3A_99 : i1
      %convert_element_type3A = arith.extui %and3A : i1 to i32
      %cond3A = arith.constant 0 : i32
      %cond3A_100 = arith.cmpi ne, %convert_element_type3A, %cond3A : i32
      scf.if %cond3A_100 {
        %dma_wait3A_132 = arith.constant 0 : i32
        %dma_wait3A_133 = arith.constant 0 : i32
        %dma_wait3A_134 = tpu.memref_slice %arg6[%rem3A_95, %dma_wait3A_132, %dma_wait3A_133] : memref<4x80x384xf32, #tpu.memory_space<vmem>> -> memref<1x80x384xf32, #tpu.memory_space<vmem>>
        %dma_wait3A_135 = tpu.memref_squeeze %dma_wait3A_134 : memref<1x80x384xf32, #tpu.memory_space<vmem>> -> memref<80x384xf32, #tpu.memory_space<vmem>>
        %dma_wait3A_136 = arith.constant 0 : i32
        %dma_wait3A_137 = tpu.memref_slice %arg4[%mul3A_2, %dma_wait3A_136] : memref<51200x384xf32, #tpu.memory_space<hbm>> -> memref<80x384xf32, #tpu.memory_space<hbm>>
        %dma_wait3A_138 = arith.constant 0 : i32
        %dma_wait3A_139 = tpu.memref_slice %arg4[%mul3A_2, %dma_wait3A_138] : memref<51200x384xf32, #tpu.memory_space<hbm>> -> memref<80x384xf32, #tpu.memory_space<hbm>>
        %dma_wait3A_140 = arith.constant 0 : i32
        %dma_wait3A_141 = arith.constant 0 : i32
        %dma_wait3A_142 = tpu.memref_slice %arg6[%rem3A_95, %dma_wait3A_140, %dma_wait3A_141] : memref<4x80x384xf32, #tpu.memory_space<vmem>> -> memref<1x80x384xf32, #tpu.memory_space<vmem>>
        %dma_wait3A_143 = tpu.memref_squeeze %dma_wait3A_142 : memref<1x80x384xf32, #tpu.memory_space<vmem>> -> memref<80x384xf32, #tpu.memory_space<vmem>>
        tpu.wait_dma2 semaphore(%arg8 : memref<!tpu.dma_semaphore, #tpu.memory_space<semaphore_mem>>) src(%dma_wait3A_143 : memref<80x384xf32, #tpu.memory_space<vmem>>) dst(%dma_wait3A_139 : memref<80x384xf32, #tpu.memory_space<hbm>>)
      } else {
      }
      %add3A_101 = arith.constant 3 : i32
      %add3A_102 = arith.addi %scan3A_90, %add3A_101 : i32
      %lt3A_103 = arith.constant 20 : i32
      %lt3A_104 = arith.cmpi slt, %add3A_102, %lt3A_103 : i32
      %convert_element_type3A_105 = arith.extui %lt3A_104 : i1 to i32
      %cond3A_106 = arith.constant 0 : i32
      %cond3A_107 = arith.cmpi ne, %convert_element_type3A_105, %cond3A_106 : i32
      scf.if %cond3A_107 {
        %add3A_132 = arith.constant 3 : i32
        %add3A_133 = arith.addi %scan3A_90, %add3A_132 : i32
        %mul3A_134 = arith.constant 80 : i32
        %mul3A_135 = arith.muli %add3A_133, %mul3A_134 : i32
        %multiple_of3A_136 = arith.constant 0 : i32
        %multiple_of3A_137 = tpu.assume_multiple %multiple_of3A_136, 128 : i32
        %dma_start3A_138 = arith.constant 0 : i32
        %dma_start3A_139 = arith.constant 0 : i32
        %dma_start3A_140 = tpu.memref_slice %arg6[%rem3A_95, %dma_start3A_138, %dma_start3A_139] : memref<4x80x384xf32, #tpu.memory_space<vmem>> -> memref<1x80x384xf32, #tpu.memory_space<vmem>>
        %dma_start3A_141 = tpu.memref_squeeze %dma_start3A_140 : memref<1x80x384xf32, #tpu.memory_space<vmem>> -> memref<80x384xf32, #tpu.memory_space<vmem>>
        %dma_start3A_142 = tpu.memref_slice %arg5[%mul3A_135] : memref<1600xi32, #tpu.memory_space<vmem>> -> memref<80xi32, #tpu.memory_space<vmem>>
        %dma_start3A_143 = arith.constant 0 : i32
        %dma_start3A_144 = tpu.memref_slice %arg2[%dma_start3A_143, %multiple_of3A_137] : memref<100000x300xf32, #tpu.memory_space<hbm>> -> memref<100000x384xf32, #tpu.memory_space<hbm>>
        tpu.enqueue_indirect_dma source(%dma_start3A_144 : memref<100000x384xf32, #tpu.memory_space<hbm>>) target(%dma_start3A_141 : memref<80x384xf32, #tpu.memory_space<vmem>>) offsets(%dma_start3A_142 : memref<80xi32, #tpu.memory_space<vmem>>) semaphore(%arg7 : memref<!tpu.dma_semaphore, #tpu.memory_space<semaphore_mem>>)
      } else {
      }
      %dma_wait3A_108 = arith.constant 0 : i32
      %dma_wait3A_109 = arith.constant 0 : i32
      %dma_wait3A_110 = tpu.memref_slice %arg6[%rem3A_91, %dma_wait3A_108, %dma_wait3A_109] : memref<4x80x384xf32, #tpu.memory_space<vmem>> -> memref<1x80x384xf32, #tpu.memory_space<vmem>>
      %dma_wait3A_111 = tpu.memref_squeeze %dma_wait3A_110 : memref<1x80x384xf32, #tpu.memory_space<vmem>> -> memref<80x384xf32, #tpu.memory_space<vmem>>
      %dma_wait3A_112 = arith.constant 0 : i32
      %dma_wait3A_113 = tpu.memref_slice %arg5[%dma_wait3A_112] : memref<1600xi32, #tpu.memory_space<vmem>> -> memref<80xi32, #tpu.memory_space<vmem>>
      %dma_wait3A_114 = arith.constant 0 : i32
      %dma_wait3A_115 = arith.constant 0 : i32
      %dma_wait3A_116 = tpu.memref_slice %arg2[%dma_wait3A_114, %dma_wait3A_115] : memref<100000x300xf32, #tpu.memory_space<hbm>> -> memref<100000x384xf32, #tpu.memory_space<hbm>>
      tpu.wait_indirect_dma semaphore(%arg7 : memref<!tpu.dma_semaphore, #tpu.memory_space<semaphore_mem>>) src(%dma_wait3A_116 : memref<100000x384xf32, #tpu.memory_space<hbm>>) dst(%dma_wait3A_111 : memref<80x384xf32, #tpu.memory_space<vmem>>)
      %mul3A_117 = arith.constant 80 : i32
      %mul3A_118 = arith.muli %scan3A_90, %mul3A_117 : i32
      %add3A_119 = arith.addi %mul3A_2, %mul3A_118 : i32
      %dma_start3A_120 = arith.constant 0 : i32
      %dma_start3A_121 = arith.constant 0 : i32
      %dma_start3A_122 = tpu.memref_slice %arg6[%rem3A_91, %dma_start3A_120, %dma_start3A_121] : memref<4x80x384xf32, #tpu.memory_space<vmem>> -> memref<1x80x384xf32, #tpu.memory_space<vmem>>
      %dma_start3A_123 = tpu.memref_squeeze %dma_start3A_122 : memref<1x80x384xf32, #tpu.memory_space<vmem>> -> memref<80x384xf32, #tpu.memory_space<vmem>>
      %dma_start3A_124 = arith.constant 0 : i32
      %dma_start3A_125 = tpu.memref_slice %arg4[%add3A_119, %dma_start3A_124] : memref<51200x384xf32, #tpu.memory_space<hbm>> -> memref<80x384xf32, #tpu.memory_space<hbm>>
      %dma_start3A_126 = arith.constant 0 : i32
      %dma_start3A_127 = tpu.memref_slice %arg4[%add3A_119, %dma_start3A_126] : memref<51200x384xf32, #tpu.memory_space<hbm>> -> memref<80x384xf32, #tpu.memory_space<hbm>>
      %dma_start3A_128 = arith.constant 0 : i32
      %dma_start3A_129 = arith.constant 0 : i32
      %dma_start3A_130 = tpu.memref_slice %arg6[%rem3A_91, %dma_start3A_128, %dma_start3A_129] : memref<4x80x384xf32, #tpu.memory_space<vmem>> -> memref<1x80x384xf32, #tpu.memory_space<vmem>>
      %dma_start3A_131 = tpu.memref_squeeze %dma_start3A_130 : memref<1x80x384xf32, #tpu.memory_space<vmem>> -> memref<80x384xf32, #tpu.memory_space<vmem>>
      tpu.enqueue_dma source(%dma_start3A_131 : memref<80x384xf32, #tpu.memory_space<vmem>>) target(%dma_start3A_127 : memref<80x384xf32, #tpu.memory_space<hbm>>) target_semaphore(%arg8 : memref<!tpu.dma_semaphore, #tpu.memory_space<semaphore_mem>>)
    }
    %scan3A_38 = arith.constant 20 : i32
    %dma_wait3A = arith.constant 0 : i32
    %dma_wait3A_39 = arith.constant 0 : i32
    %dma_wait3A_40 = arith.constant 0 : i32
    %dma_wait3A_41 = tpu.memref_slice %arg6[%dma_wait3A, %dma_wait3A_39, %dma_wait3A_40] : memref<4x80x384xf32, #tpu.memory_space<vmem>> -> memref<1x80x384xf32, #tpu.memory_space<vmem>>
    %dma_wait3A_42 = tpu.memref_squeeze %dma_wait3A_41 : memref<1x80x384xf32, #tpu.memory_space<vmem>> -> memref<80x384xf32, #tpu.memory_space<vmem>>
    %dma_wait3A_43 = arith.constant 0 : i32
    %dma_wait3A_44 = tpu.memref_slice %arg4[%mul3A_2, %dma_wait3A_43] : memref<51200x384xf32, #tpu.memory_space<hbm>> -> memref<80x384xf32, #tpu.memory_space<hbm>>
    %dma_wait3A_45 = arith.constant 0 : i32
    %dma_wait3A_46 = tpu.memref_slice %arg4[%mul3A_2, %dma_wait3A_45] : memref<51200x384xf32, #tpu.memory_space<hbm>> -> memref<80x384xf32, #tpu.memory_space<hbm>>
    %dma_wait3A_47 = arith.constant 0 : i32
    %dma_wait3A_48 = arith.constant 0 : i32
    %dma_wait3A_49 = tpu.memref_slice %arg6[%dma_wait3A, %dma_wait3A_47, %dma_wait3A_48] : memref<4x80x384xf32, #tpu.memory_space<vmem>> -> memref<1x80x384xf32, #tpu.memory_space<vmem>>
    %dma_wait3A_50 = tpu.memref_squeeze %dma_wait3A_49 : memref<1x80x384xf32, #tpu.memory_space<vmem>> -> memref<80x384xf32, #tpu.memory_space<vmem>>
    tpu.wait_dma2 semaphore(%arg8 : memref<!tpu.dma_semaphore, #tpu.memory_space<semaphore_mem>>) src(%dma_wait3A_50 : memref<80x384xf32, #tpu.memory_space<vmem>>) dst(%dma_wait3A_46 : memref<80x384xf32, #tpu.memory_space<hbm>>)
    %dma_wait3A_51 = arith.constant 1 : i32
    %dma_wait3A_52 = arith.constant 0 : i32
    %dma_wait3A_53 = arith.constant 0 : i32
    %dma_wait3A_54 = tpu.memref_slice %arg6[%dma_wait3A_51, %dma_wait3A_52, %dma_wait3A_53] : memref<4x80x384xf32, #tpu.memory_space<vmem>> -> memref<1x80x384xf32, #tpu.memory_space<vmem>>
    %dma_wait3A_55 = tpu.memref_squeeze %dma_wait3A_54 : memref<1x80x384xf32, #tpu.memory_space<vmem>> -> memref<80x384xf32, #tpu.memory_space<vmem>>
    %dma_wait3A_56 = arith.constant 0 : i32
    %dma_wait3A_57 = tpu.memref_slice %arg4[%mul3A_2, %dma_wait3A_56] : memref<51200x384xf32, #tpu.memory_space<hbm>> -> memref<80x384xf32, #tpu.memory_space<hbm>>
    %dma_wait3A_58 = arith.constant 0 : i32
    %dma_wait3A_59 = tpu.memref_slice %arg4[%mul3A_2, %dma_wait3A_58] : memref<51200x384xf32, #tpu.memory_space<hbm>> -> memref<80x384xf32, #tpu.memory_space<hbm>>
    %dma_wait3A_60 = arith.constant 0 : i32
    %dma_wait3A_61 = arith.constant 0 : i32
    %dma_wait3A_62 = tpu.memref_slice %arg6[%dma_wait3A_51, %dma_wait3A_60, %dma_wait3A_61] : memref<4x80x384xf32, #tpu.memory_space<vmem>> -> memref<1x80x384xf32, #tpu.memory_space<vmem>>
    %dma_wait3A_63 = tpu.memref_squeeze %dma_wait3A_62 : memref<1x80x384xf32, #tpu.memory_space<vmem>> -> memref<80x384xf32, #tpu.memory_space<vmem>>
    tpu.wait_dma2 semaphore(%arg8 : memref<!tpu.dma_semaphore, #tpu.memory_space<semaphore_mem>>) src(%dma_wait3A_63 : memref<80x384xf32, #tpu.memory_space<vmem>>) dst(%dma_wait3A_59 : memref<80x384xf32, #tpu.memory_space<hbm>>)
    %dma_wait3A_64 = arith.constant 2 : i32
    %dma_wait3A_65 = arith.constant 0 : i32
    %dma_wait3A_66 = arith.constant 0 : i32
    %dma_wait3A_67 = tpu.memref_slice %arg6[%dma_wait3A_64, %dma_wait3A_65, %dma_wait3A_66] : memref<4x80x384xf32, #tpu.memory_space<vmem>> -> memref<1x80x384xf32, #tpu.memory_space<vmem>>
    %dma_wait3A_68 = tpu.memref_squeeze %dma_wait3A_67 : memref<1x80x384xf32, #tpu.memory_space<vmem>> -> memref<80x384xf32, #tpu.memory_space<vmem>>
    %dma_wait3A_69 = arith.constant 0 : i32
    %dma_wait3A_70 = tpu.memref_slice %arg4[%mul3A_2, %dma_wait3A_69] : memref<51200x384xf32, #tpu.memory_space<hbm>> -> memref<80x384xf32, #tpu.memory_space<hbm>>
    %dma_wait3A_71 = arith.constant 0 : i32
    %dma_wait3A_72 = tpu.memref_slice %arg4[%mul3A_2, %dma_wait3A_71] : memref<51200x384xf32, #tpu.memory_space<hbm>> -> memref<80x384xf32, #tpu.memory_space<hbm>>
    %dma_wait3A_73 = arith.constant 0 : i32
    %dma_wait3A_74 = arith.constant 0 : i32
    %dma_wait3A_75 = tpu.memref_slice %arg6[%dma_wait3A_64, %dma_wait3A_73, %dma_wait3A_74] : memref<4x80x384xf32, #tpu.memory_space<vmem>> -> memref<1x80x384xf32, #tpu.memory_space<vmem>>
    %dma_wait3A_76 = tpu.memref_squeeze %dma_wait3A_75 : memref<1x80x384xf32, #tpu.memory_space<vmem>> -> memref<80x384xf32, #tpu.memory_space<vmem>>
    tpu.wait_dma2 semaphore(%arg8 : memref<!tpu.dma_semaphore, #tpu.memory_space<semaphore_mem>>) src(%dma_wait3A_76 : memref<80x384xf32, #tpu.memory_space<vmem>>) dst(%dma_wait3A_72 : memref<80x384xf32, #tpu.memory_space<hbm>>)
    %dma_wait3A_77 = arith.constant 3 : i32
    %dma_wait3A_78 = arith.constant 0 : i32
    %dma_wait3A_79 = arith.constant 0 : i32
    %dma_wait3A_80 = tpu.memref_slice %arg6[%dma_wait3A_77, %dma_wait3A_78, %dma_wait3A_79] : memref<4x80x384xf32, #tpu.memory_space<vmem>> -> memref<1x80x384xf32, #tpu.memory_space<vmem>>
    %dma_wait3A_81 = tpu.memref_squeeze %dma_wait3A_80 : memref<1x80x384xf32, #tpu.memory_space<vmem>> -> memref<80x384xf32, #tpu.memory_space<vmem>>
    %dma_wait3A_82 = arith.constant 0 : i32
    %dma_wait3A_83 = tpu.memref_slice %arg4[%mul3A_2, %dma_wait3A_82] : memref<51200x384xf32, #tpu.memory_space<hbm>> -> memref<80x384xf32, #tpu.memory_space<hbm>>
    %dma_wait3A_84 = arith.constant 0 : i32
    %dma_wait3A_85 = tpu.memref_slice %arg4[%mul3A_2, %dma_wait3A_84] : memref<51200x384xf32, #tpu.memory_space<hbm>> -> memref<80x384xf32, #tpu.memory_space<hbm>>
    %dma_wait3A_86 = arith.constant 0 : i32
    %dma_wait3A_87 = arith.constant 0 : i32
    %dma_wait3A_88 = tpu.memref_slice %arg6[%dma_wait3A_77, %dma_wait3A_86, %dma_wait3A_87] : memref<4x80x384xf32, #tpu.memory_space<vmem>> -> memref<1x80x384xf32, #tpu.memory_space<vmem>>
    %dma_wait3A_89 = tpu.memref_squeeze %dma_wait3A_88 : memref<1x80x384xf32, #tpu.memory_space<vmem>> -> memref<80x384xf32, #tpu.memory_space<vmem>>
    tpu.wait_dma2 semaphore(%arg8 : memref<!tpu.dma_semaphore, #tpu.memory_space<semaphore_mem>>) src(%dma_wait3A_89 : memref<80x384xf32, #tpu.memory_space<vmem>>) dst(%dma_wait3A_85 : memref<80x384xf32, #tpu.memory_space<hbm>>)
    return
  }
}

module attributes {stable_mosaic.version = 14 : i64} {
  func.func @mk(%arg0: i32, %arg1: memref<3200x384xf32, #tpu.memory_space<vmem>>, %arg2: memref<300x768xf32, #tpu.memory_space<vmem>>, %arg3: memref<1x768xf32, #tpu.memory_space<vmem>>, %arg4: memref<64x50x768xf32, #tpu.memory_space<vmem>>) attributes {dimension_semantics = [#tpu.dimension_semantics<arbitrary>], iteration_bounds = array<i64: 16>, scalar_prefetch = 0 : i64, scratch_operands = 0 : i64, tpu.core_type = #tpu.core_type<tc>, window_params = [{transform_indices = @transform_0, window_bounds = array<i64: 3200, 384>}, {pipeline_mode = #tpu.pipeline_mode<synchronous>, transform_indices = @transform_1, window_bounds = array<i64: 300, 768>}, {pipeline_mode = #tpu.pipeline_mode<synchronous>, transform_indices = @transform_2, window_bounds = array<i64: 1, 768>}, {transform_indices = @transform_3, window_bounds = array<i64: 64, 50, 768>}]} {
    %get3A = arith.constant 0 : index
    %get3A_0 = arith.constant 0 : index
    %get3A_1 = vector.load %arg2[%get3A, %get3A_0] : memref<300x768xf32, #tpu.memory_space<vmem>>, vector<300x768xf32>
    %convert_element_type3A = arith.truncf %get3A_1 : vector<300x768xf32> to vector<300x768xbf16>
    %get3A_2 = arith.constant 0 : index
    %get3A_3 = arith.constant 0 : index
    %get3A_4 = vector.load %arg1[%get3A_2, %get3A_3] : memref<3200x384xf32, #tpu.memory_space<vmem>>, vector<50x300xf32>
    %convert_element_type3A_5 = arith.truncf %get3A_4 : vector<50x300xf32> to vector<50x300xbf16>
    %dot_general3A = arith.constant dense<0.000000e+00> : vector<50x768xf32>
    %dot_general3A_6 = tpu.matmul %convert_element_type3A_5, %convert_element_type3A, %dot_general3A {dimension_numbers = #tpu.dot_dimension_numbers<[1], [0], [0], [1], [0, 0, 1, 1], [], []>, transpose_lhs_hint = false} : vector<50x300xbf16>, vector<300x768xbf16>, vector<50x768xf32> -> vector<50x768xf32>
    %get3A_7 = arith.constant 0 : index
    %get3A_8 = arith.constant 0 : index
    %get3A_9 = vector.load %arg3[%get3A_7, %get3A_8] : memref<1x768xf32, #tpu.memory_space<vmem>>, vector<1x768xf32>
    %add3A = vector.broadcast %get3A_9 : vector<1x768xf32> to vector<50x768xf32>
    %add3A_10 = arith.addf %dot_general3A_6, %add3A : vector<50x768xf32>
    %swap3A = arith.constant 0 : index
    %swap3A_11 = arith.constant 0 : index
    %swap3A_12 = arith.constant 0 : index
    %swap3A_13 = vector.load %arg4[%swap3A, %swap3A_11, %swap3A_12] : memref<64x50x768xf32, #tpu.memory_space<vmem>>, vector<1x50x768xf32>
    %swap3A_14 = vector.shape_cast %swap3A_13 : vector<1x50x768xf32> to vector<50x768xf32>
    %swap3A_15 = vector.shape_cast %add3A_10 : vector<50x768xf32> to vector<1x50x768xf32>
    tpu.vector_store %arg4[%swap3A, %swap3A_11, %swap3A_12], %swap3A_15 {strides = array<i32>} : memref<64x50x768xf32, #tpu.memory_space<vmem>>, vector<1x50x768xf32>,
    %get3A_16 = arith.constant 50 : index
    %get3A_17 = arith.constant 0 : index
    %get3A_18 = vector.load %arg1[%get3A_16, %get3A_17] : memref<3200x384xf32, #tpu.memory_space<vmem>>, vector<50x300xf32>
    %convert_element_type3A_19 = arith.truncf %get3A_18 : vector<50x300xf32> to vector<50x300xbf16>
    %dot_general3A_20 = arith.constant dense<0.000000e+00> : vector<50x768xf32>
    %dot_general3A_21 = tpu.matmul %convert_element_type3A_19, %convert_element_type3A, %dot_general3A_20 {dimension_numbers = #tpu.dot_dimension_numbers<[1], [0], [0], [1], [0, 0, 1, 1], [], []>, transpose_lhs_hint = false} : vector<50x300xbf16>, vector<300x768xbf16>, vector<50x768xf32> -> vector<50x768xf32>
    %get3A_22 = arith.constant 0 : index
    %get3A_23 = arith.constant 0 : index
    %get3A_24 = vector.load %arg3[%get3A_22, %get3A_23] : memref<1x768xf32, #tpu.memory_space<vmem>>, vector<1x768xf32>
    %add3A_25 = vector.broadcast %get3A_24 : vector<1x768xf32> to vector<50x768xf32>
    %add3A_26 = arith.addf %dot_general3A_21, %add3A_25 : vector<50x768xf32>
    %swap3A_27 = arith.constant 1 : index
    %swap3A_28 = arith.constant 0 : index
    %swap3A_29 = arith.constant 0 : index
    %swap3A_30 = vector.load %arg4[%swap3A_27, %swap3A_28, %swap3A_29] : memref<64x50x768xf32, #tpu.memory_space<vmem>>, vector<1x50x768xf32>
    %swap3A_31 = vector.shape_cast %swap3A_30 : vector<1x50x768xf32> to vector<50x768xf32>
    %swap3A_32 = vector.shape_cast %add3A_26 : vector<50x768xf32> to vector<1x50x768xf32>
    tpu.vector_store %arg4[%swap3A_27, %swap3A_28, %swap3A_29], %swap3A_32 {strides = array<i32>} : memref<64x50x768xf32, #tpu.memory_space<vmem>>, vector<1x50x768xf32>,
    %get3A_33 = arith.constant 100 : index
    %get3A_34 = arith.constant 0 : index
    %get3A_35 = vector.load %arg1[%get3A_33, %get3A_34] : memref<3200x384xf32, #tpu.memory_space<vmem>>, vector<50x300xf32>
    %convert_element_type3A_36 = arith.truncf %get3A_35 : vector<50x300xf32> to vector<50x300xbf16>
    %dot_general3A_37 = arith.constant dense<0.000000e+00> : vector<50x768xf32>
    %dot_general3A_38 = tpu.matmul %convert_element_type3A_36, %convert_element_type3A, %dot_general3A_37 {dimension_numbers = #tpu.dot_dimension_numbers<[1], [0], [0], [1], [0, 0, 1, 1], [], []>, transpose_lhs_hint = false} : vector<50x300xbf16>, vector<300x768xbf16>, vector<50x768xf32> -> vector<50x768xf32>
    %get3A_39 = arith.constant 0 : index
    %get3A_40 = arith.constant 0 : index
    %get3A_41 = vector.load %arg3[%get3A_39, %get3A_40] : memref<1x768xf32, #tpu.memory_space<vmem>>, vector<1x768xf32>
    %add3A_42 = vector.broadcast %get3A_41 : vector<1x768xf32> to vector<50x768xf32>
    %add3A_43 = arith.addf %dot_general3A_38, %add3A_42 : vector<50x768xf32>
    %swap3A_44 = arith.constant 2 : index
    %swap3A_45 = arith.constant 0 : index
    %swap3A_46 = arith.constant 0 : index
    %swap3A_47 = vector.load %arg4[%swap3A_44, %swap3A_45, %swap3A_46] : memref<64x50x768xf32, #tpu.memory_space<vmem>>, vector<1x50x768xf32>
    %swap3A_48 = vector.shape_cast %swap3A_47 : vector<1x50x768xf32> to vector<50x768xf32>
    %swap3A_49 = vector.shape_cast %add3A_43 : vector<50x768xf32> to vector<1x50x768xf32>
    tpu.vector_store %arg4[%swap3A_44, %swap3A_45, %swap3A_46], %swap3A_49 {strides = array<i32>} : memref<64x50x768xf32, #tpu.memory_space<vmem>>, vector<1x50x768xf32>,
    %get3A_50 = arith.constant 150 : index
    %get3A_51 = arith.constant 0 : index
    %get3A_52 = vector.load %arg1[%get3A_50, %get3A_51] : memref<3200x384xf32, #tpu.memory_space<vmem>>, vector<50x300xf32>
    %convert_element_type3A_53 = arith.truncf %get3A_52 : vector<50x300xf32> to vector<50x300xbf16>
    %dot_general3A_54 = arith.constant dense<0.000000e+00> : vector<50x768xf32>
    %dot_general3A_55 = tpu.matmul %convert_element_type3A_53, %convert_element_type3A, %dot_general3A_54 {dimension_numbers = #tpu.dot_dimension_numbers<[1], [0], [0], [1], [0, 0, 1, 1], [], []>, transpose_lhs_hint = false} : vector<50x300xbf16>, vector<300x768xbf16>, vector<50x768xf32> -> vector<50x768xf32>
    %get3A_56 = arith.constant 0 : index
    %get3A_57 = arith.constant 0 : index
    %get3A_58 = vector.load %arg3[%get3A_56, %get3A_57] : memref<1x768xf32, #tpu.memory_space<vmem>>, vector<1x768xf32>
    %add3A_59 = vector.broadcast %get3A_58 : vector<1x768xf32> to vector<50x768xf32>
    %add3A_60 = arith.addf %dot_general3A_55, %add3A_59 : vector<50x768xf32>
    %swap3A_61 = arith.constant 3 : index
    %swap3A_62 = arith.constant 0 : index
    %swap3A_63 = arith.constant 0 : index
    %swap3A_64 = vector.load %arg4[%swap3A_61, %swap3A_62, %swap3A_63] : memref<64x50x768xf32, #tpu.memory_space<vmem>>, vector<1x50x768xf32>
    %swap3A_65 = vector.shape_cast %swap3A_64 : vector<1x50x768xf32> to vector<50x768xf32>
    %swap3A_66 = vector.shape_cast %add3A_60 : vector<50x768xf32> to vector<1x50x768xf32>
    tpu.vector_store %arg4[%swap3A_61, %swap3A_62, %swap3A_63], %swap3A_66 {strides = array<i32>} : memref<64x50x768xf32, #tpu.memory_space<vmem>>, vector<1x50x768xf32>,
    %get3A_67 = arith.constant 200 : index
    %get3A_68 = arith.constant 0 : index
    %get3A_69 = vector.load %arg1[%get3A_67, %get3A_68] : memref<3200x384xf32, #tpu.memory_space<vmem>>, vector<50x300xf32>
    %convert_element_type3A_70 = arith.truncf %get3A_69 : vector<50x300xf32> to vector<50x300xbf16>
    %dot_general3A_71 = arith.constant dense<0.000000e+00> : vector<50x768xf32>
    %dot_general3A_72 = tpu.matmul %convert_element_type3A_70, %convert_element_type3A, %dot_general3A_71 {dimension_numbers = #tpu.dot_dimension_numbers<[1], [0], [0], [1], [0, 0, 1, 1], [], []>, transpose_lhs_hint = false} : vector<50x300xbf16>, vector<300x768xbf16>, vector<50x768xf32> -> vector<50x768xf32>
    %get3A_73 = arith.constant 0 : index
    %get3A_74 = arith.constant 0 : index
    %get3A_75 = vector.load %arg3[%get3A_73, %get3A_74] : memref<1x768xf32, #tpu.memory_space<vmem>>, vector<1x768xf32>
    %add3A_76 = vector.broadcast %get3A_75 : vector<1x768xf32> to vector<50x768xf32>
    %add3A_77 = arith.addf %dot_general3A_72, %add3A_76 : vector<50x768xf32>
    %swap3A_78 = arith.constant 4 : index
    %swap3A_79 = arith.constant 0 : index
    %swap3A_80 = arith.constant 0 : index
    %swap3A_81 = vector.load %arg4[%swap3A_78, %swap3A_79, %swap3A_80] : memref<64x50x768xf32, #tpu.memory_space<vmem>>, vector<1x50x768xf32>
    %swap3A_82 = vector.shape_cast %swap3A_81 : vector<1x50x768xf32> to vector<50x768xf32>
    %swap3A_83 = vector.shape_cast %add3A_77 : vector<50x768xf32> to vector<1x50x768xf32>
    tpu.vector_store %arg4[%swap3A_78, %swap3A_79, %swap3A_80], %swap3A_83 {strides = array<i32>} : memref<64x50x768xf32, #tpu.memory_space<vmem>>, vector<1x50x768xf32>,
    %get3A_84 = arith.constant 250 : index
    %get3A_85 = arith.constant 0 : index
    %get3A_86 = vector.load %arg1[%get3A_84, %get3A_85] : memref<3200x384xf32, #tpu.memory_space<vmem>>, vector<50x300xf32>
    %convert_element_type3A_87 = arith.truncf %get3A_86 : vector<50x300xf32> to vector<50x300xbf16>
    %dot_general3A_88 = arith.constant dense<0.000000e+00> : vector<50x768xf32>
    %dot_general3A_89 = tpu.matmul %convert_element_type3A_87, %convert_element_type3A, %dot_general3A_88 {dimension_numbers = #tpu.dot_dimension_numbers<[1], [0], [0], [1], [0, 0, 1, 1], [], []>, transpose_lhs_hint = false} : vector<50x300xbf16>, vector<300x768xbf16>, vector<50x768xf32> -> vector<50x768xf32>
    %get3A_90 = arith.constant 0 : index
    %get3A_91 = arith.constant 0 : index
    %get3A_92 = vector.load %arg3[%get3A_90, %get3A_91] : memref<1x768xf32, #tpu.memory_space<vmem>>, vector<1x768xf32>
    %add3A_93 = vector.broadcast %get3A_92 : vector<1x768xf32> to vector<50x768xf32>
    %add3A_94 = arith.addf %dot_general3A_89, %add3A_93 : vector<50x768xf32>
    %swap3A_95 = arith.constant 5 : index
    %swap3A_96 = arith.constant 0 : index
    %swap3A_97 = arith.constant 0 : index
    %swap3A_98 = vector.load %arg4[%swap3A_95, %swap3A_96, %swap3A_97] : memref<64x50x768xf32, #tpu.memory_space<vmem>>, vector<1x50x768xf32>
    %swap3A_99 = vector.shape_cast %swap3A_98 : vector<1x50x768xf32> to vector<50x768xf32>
    %swap3A_100 = vector.shape_cast %add3A_94 : vector<50x768xf32> to vector<1x50x768xf32>
    tpu.vector_store %arg4[%swap3A_95, %swap3A_96, %swap3A_97], %swap3A_100 {strides = array<i32>} : memref<64x50x768xf32, #tpu.memory_space<vmem>>, vector<1x50x768xf32>,
    %get3A_101 = arith.constant 300 : index
    %get3A_102 = arith.constant 0 : index
    %get3A_103 = vector.load %arg1[%get3A_101, %get3A_102] : memref<3200x384xf32, #tpu.memory_space<vmem>>, vector<50x300xf32>
    %convert_element_type3A_104 = arith.truncf %get3A_103 : vector<50x300xf32> to vector<50x300xbf16>
    %dot_general3A_105 = arith.constant dense<0.000000e+00> : vector<50x768xf32>
    %dot_general3A_106 = tpu.matmul %convert_element_type3A_104, %convert_element_type3A, %dot_general3A_105 {dimension_numbers = #tpu.dot_dimension_numbers<[1], [0], [0], [1], [0, 0, 1, 1], [], []>, transpose_lhs_hint = false} : vector<50x300xbf16>, vector<300x768xbf16>, vector<50x768xf32> -> vector<50x768xf32>
    %get3A_107 = arith.constant 0 : index
    %get3A_108 = arith.constant 0 : index
    %get3A_109 = vector.load %arg3[%get3A_107, %get3A_108] : memref<1x768xf32, #tpu.memory_space<vmem>>, vector<1x768xf32>
    %add3A_110 = vector.broadcast %get3A_109 : vector<1x768xf32> to vector<50x768xf32>
    %add3A_111 = arith.addf %dot_general3A_106, %add3A_110 : vector<50x768xf32>
    %swap3A_112 = arith.constant 6 : index
    %swap3A_113 = arith.constant 0 : index
    %swap3A_114 = arith.constant 0 : index
    %swap3A_115 = vector.load %arg4[%swap3A_112, %swap3A_113, %swap3A_114] : memref<64x50x768xf32, #tpu.memory_space<vmem>>, vector<1x50x768xf32>
    %swap3A_116 = vector.shape_cast %swap3A_115 : vector<1x50x768xf32> to vector<50x768xf32>
    %swap3A_117 = vector.shape_cast %add3A_111 : vector<50x768xf32> to vector<1x50x768xf32>
    tpu.vector_store %arg4[%swap3A_112, %swap3A_113, %swap3A_114], %swap3A_117 {strides = array<i32>} : memref<64x50x768xf32, #tpu.memory_space<vmem>>, vector<1x50x768xf32>,
    %get3A_118 = arith.constant 350 : index
    %get3A_119 = arith.constant 0 : index
    %get3A_120 = vector.load %arg1[%get3A_118, %get3A_119] : memref<3200x384xf32, #tpu.memory_space<vmem>>, vector<50x300xf32>
    %convert_element_type3A_121 = arith.truncf %get3A_120 : vector<50x300xf32> to vector<50x300xbf16>
    %dot_general3A_122 = arith.constant dense<0.000000e+00> : vector<50x768xf32>
    %dot_general3A_123 = tpu.matmul %convert_element_type3A_121, %convert_element_type3A, %dot_general3A_122 {dimension_numbers = #tpu.dot_dimension_numbers<[1], [0], [0], [1], [0, 0, 1, 1], [], []>, transpose_lhs_hint = false} : vector<50x300xbf16>, vector<300x768xbf16>, vector<50x768xf32> -> vector<50x768xf32>
    %get3A_124 = arith.constant 0 : index
    %get3A_125 = arith.constant 0 : index
    %get3A_126 = vector.load %arg3[%get3A_124, %get3A_125] : memref<1x768xf32, #tpu.memory_space<vmem>>, vector<1x768xf32>
    %add3A_127 = vector.broadcast %get3A_126 : vector<1x768xf32> to vector<50x768xf32>
    %add3A_128 = arith.addf %dot_general3A_123, %add3A_127 : vector<50x768xf32>
    %swap3A_129 = arith.constant 7 : index
    %swap3A_130 = arith.constant 0 : index
    %swap3A_131 = arith.constant 0 : index
    %swap3A_132 = vector.load %arg4[%swap3A_129, %swap3A_130, %swap3A_131] : memref<64x50x768xf32, #tpu.memory_space<vmem>>, vector<1x50x768xf32>
    %swap3A_133 = vector.shape_cast %swap3A_132 : vector<1x50x768xf32> to vector<50x768xf32>
    %swap3A_134 = vector.shape_cast %add3A_128 : vector<50x768xf32> to vector<1x50x768xf32>
    tpu.vector_store %arg4[%swap3A_129, %swap3A_130, %swap3A_131], %swap3A_134 {strides = array<i32>} : memref<64x50x768xf32, #tpu.memory_space<vmem>>, vector<1x50x768xf32>,
    %get3A_135 = arith.constant 400 : index
    %get3A_136 = arith.constant 0 : index
    %get3A_137 = vector.load %arg1[%get3A_135, %get3A_136] : memref<3200x384xf32, #tpu.memory_space<vmem>>, vector<50x300xf32>
    %convert_element_type3A_138 = arith.truncf %get3A_137 : vector<50x300xf32> to vector<50x300xbf16>
    %dot_general3A_139 = arith.constant dense<0.000000e+00> : vector<50x768xf32>
    %dot_general3A_140 = tpu.matmul %convert_element_type3A_138, %convert_element_type3A, %dot_general3A_139 {dimension_numbers = #tpu.dot_dimension_numbers<[1], [0], [0], [1], [0, 0, 1, 1], [], []>, transpose_lhs_hint = false} : vector<50x300xbf16>, vector<300x768xbf16>, vector<50x768xf32> -> vector<50x768xf32>
    %get3A_141 = arith.constant 0 : index
    %get3A_142 = arith.constant 0 : index
    %get3A_143 = vector.load %arg3[%get3A_141, %get3A_142] : memref<1x768xf32, #tpu.memory_space<vmem>>, vector<1x768xf32>
    %add3A_144 = vector.broadcast %get3A_143 : vector<1x768xf32> to vector<50x768xf32>
    %add3A_145 = arith.addf %dot_general3A_140, %add3A_144 : vector<50x768xf32>
    %swap3A_146 = arith.constant 8 : index
    %swap3A_147 = arith.constant 0 : index
    %swap3A_148 = arith.constant 0 : index
    %swap3A_149 = vector.load %arg4[%swap3A_146, %swap3A_147, %swap3A_148] : memref<64x50x768xf32, #tpu.memory_space<vmem>>, vector<1x50x768xf32>
    %swap3A_150 = vector.shape_cast %swap3A_149 : vector<1x50x768xf32> to vector<50x768xf32>
    %swap3A_151 = vector.shape_cast %add3A_145 : vector<50x768xf32> to vector<1x50x768xf32>
    tpu.vector_store %arg4[%swap3A_146, %swap3A_147, %swap3A_148], %swap3A_151 {strides = array<i32>} : memref<64x50x768xf32, #tpu.memory_space<vmem>>, vector<1x50x768xf32>,
    %get3A_152 = arith.constant 450 : index
    %get3A_153 = arith.constant 0 : index
    %get3A_154 = vector.load %arg1[%get3A_152, %get3A_153] : memref<3200x384xf32, #tpu.memory_space<vmem>>, vector<50x300xf32>
    %convert_element_type3A_155 = arith.truncf %get3A_154 : vector<50x300xf32> to vector<50x300xbf16>
    %dot_general3A_156 = arith.constant dense<0.000000e+00> : vector<50x768xf32>
    %dot_general3A_157 = tpu.matmul %convert_element_type3A_155, %convert_element_type3A, %dot_general3A_156 {dimension_numbers = #tpu.dot_dimension_numbers<[1], [0], [0], [1], [0, 0, 1, 1], [], []>, transpose_lhs_hint = false} : vector<50x300xbf16>, vector<300x768xbf16>, vector<50x768xf32> -> vector<50x768xf32>
    %get3A_158 = arith.constant 0 : index
    %get3A_159 = arith.constant 0 : index
    %get3A_160 = vector.load %arg3[%get3A_158, %get3A_159] : memref<1x768xf32, #tpu.memory_space<vmem>>, vector<1x768xf32>
    %add3A_161 = vector.broadcast %get3A_160 : vector<1x768xf32> to vector<50x768xf32>
    %add3A_162 = arith.addf %dot_general3A_157, %add3A_161 : vector<50x768xf32>
    %swap3A_163 = arith.constant 9 : index
    %swap3A_164 = arith.constant 0 : index
    %swap3A_165 = arith.constant 0 : index
    %swap3A_166 = vector.load %arg4[%swap3A_163, %swap3A_164, %swap3A_165] : memref<64x50x768xf32, #tpu.memory_space<vmem>>, vector<1x50x768xf32>
    %swap3A_167 = vector.shape_cast %swap3A_166 : vector<1x50x768xf32> to vector<50x768xf32>
    %swap3A_168 = vector.shape_cast %add3A_162 : vector<50x768xf32> to vector<1x50x768xf32>
    tpu.vector_store %arg4[%swap3A_163, %swap3A_164, %swap3A_165], %swap3A_168 {strides = array<i32>} : memref<64x50x768xf32, #tpu.memory_space<vmem>>, vector<1x50x768xf32>,
    %get3A_169 = arith.constant 500 : index
    %get3A_170 = arith.constant 0 : index
    %get3A_171 = vector.load %arg1[%get3A_169, %get3A_170] : memref<3200x384xf32, #tpu.memory_space<vmem>>, vector<50x300xf32>
    %convert_element_type3A_172 = arith.truncf %get3A_171 : vector<50x300xf32> to vector<50x300xbf16>
    %dot_general3A_173 = arith.constant dense<0.000000e+00> : vector<50x768xf32>
    %dot_general3A_174 = tpu.matmul %convert_element_type3A_172, %convert_element_type3A, %dot_general3A_173 {dimension_numbers = #tpu.dot_dimension_numbers<[1], [0], [0], [1], [0, 0, 1, 1], [], []>, transpose_lhs_hint = false} : vector<50x300xbf16>, vector<300x768xbf16>, vector<50x768xf32> -> vector<50x768xf32>
    %get3A_175 = arith.constant 0 : index
    %get3A_176 = arith.constant 0 : index
    %get3A_177 = vector.load %arg3[%get3A_175, %get3A_176] : memref<1x768xf32, #tpu.memory_space<vmem>>, vector<1x768xf32>
    %add3A_178 = vector.broadcast %get3A_177 : vector<1x768xf32> to vector<50x768xf32>
    %add3A_179 = arith.addf %dot_general3A_174, %add3A_178 : vector<50x768xf32>
    %swap3A_180 = arith.constant 10 : index
    %swap3A_181 = arith.constant 0 : index
    %swap3A_182 = arith.constant 0 : index
    %swap3A_183 = vector.load %arg4[%swap3A_180, %swap3A_181, %swap3A_182] : memref<64x50x768xf32, #tpu.memory_space<vmem>>, vector<1x50x768xf32>
    %swap3A_184 = vector.shape_cast %swap3A_183 : vector<1x50x768xf32> to vector<50x768xf32>
    %swap3A_185 = vector.shape_cast %add3A_179 : vector<50x768xf32> to vector<1x50x768xf32>
    tpu.vector_store %arg4[%swap3A_180, %swap3A_181, %swap3A_182], %swap3A_185 {strides = array<i32>} : memref<64x50x768xf32, #tpu.memory_space<vmem>>, vector<1x50x768xf32>,
    %get3A_186 = arith.constant 550 : index
    %get3A_187 = arith.constant 0 : index
    %get3A_188 = vector.load %arg1[%get3A_186, %get3A_187] : memref<3200x384xf32, #tpu.memory_space<vmem>>, vector<50x300xf32>
    %convert_element_type3A_189 = arith.truncf %get3A_188 : vector<50x300xf32> to vector<50x300xbf16>
    %dot_general3A_190 = arith.constant dense<0.000000e+00> : vector<50x768xf32>
    %dot_general3A_191 = tpu.matmul %convert_element_type3A_189, %convert_element_type3A, %dot_general3A_190 {dimension_numbers = #tpu.dot_dimension_numbers<[1], [0], [0], [1], [0, 0, 1, 1], [], []>, transpose_lhs_hint = false} : vector<50x300xbf16>, vector<300x768xbf16>, vector<50x768xf32> -> vector<50x768xf32>
    %get3A_192 = arith.constant 0 : index
    %get3A_193 = arith.constant 0 : index
    %get3A_194 = vector.load %arg3[%get3A_192, %get3A_193] : memref<1x768xf32, #tpu.memory_space<vmem>>, vector<1x768xf32>
    %add3A_195 = vector.broadcast %get3A_194 : vector<1x768xf32> to vector<50x768xf32>
    %add3A_196 = arith.addf %dot_general3A_191, %add3A_195 : vector<50x768xf32>
    %swap3A_197 = arith.constant 11 : index
    %swap3A_198 = arith.constant 0 : index
    %swap3A_199 = arith.constant 0 : index
    %swap3A_200 = vector.load %arg4[%swap3A_197, %swap3A_198, %swap3A_199] : memref<64x50x768xf32, #tpu.memory_space<vmem>>, vector<1x50x768xf32>
    %swap3A_201 = vector.shape_cast %swap3A_200 : vector<1x50x768xf32> to vector<50x768xf32>
    %swap3A_202 = vector.shape_cast %add3A_196 : vector<50x768xf32> to vector<1x50x768xf32>
    tpu.vector_store %arg4[%swap3A_197, %swap3A_198, %swap3A_199], %swap3A_202 {strides = array<i32>} : memref<64x50x768xf32, #tpu.memory_space<vmem>>, vector<1x50x768xf32>,
    %get3A_203 = arith.constant 600 : index
    %get3A_204 = arith.constant 0 : index
    %get3A_205 = vector.load %arg1[%get3A_203, %get3A_204] : memref<3200x384xf32, #tpu.memory_space<vmem>>, vector<50x300xf32>
    %convert_element_type3A_206 = arith.truncf %get3A_205 : vector<50x300xf32> to vector<50x300xbf16>
    %dot_general3A_207 = arith.constant dense<0.000000e+00> : vector<50x768xf32>
    %dot_general3A_208 = tpu.matmul %convert_element_type3A_206, %convert_element_type3A, %dot_general3A_207 {dimension_numbers = #tpu.dot_dimension_numbers<[1], [0], [0], [1], [0, 0, 1, 1], [], []>, transpose_lhs_hint = false} : vector<50x300xbf16>, vector<300x768xbf16>, vector<50x768xf32> -> vector<50x768xf32>
    %get3A_209 = arith.constant 0 : index
    %get3A_210 = arith.constant 0 : index
    %get3A_211 = vector.load %arg3[%get3A_209, %get3A_210] : memref<1x768xf32, #tpu.memory_space<vmem>>, vector<1x768xf32>
    %add3A_212 = vector.broadcast %get3A_211 : vector<1x768xf32> to vector<50x768xf32>
    %add3A_213 = arith.addf %dot_general3A_208, %add3A_212 : vector<50x768xf32>
    %swap3A_214 = arith.constant 12 : index
    %swap3A_215 = arith.constant 0 : index
    %swap3A_216 = arith.constant 0 : index
    %swap3A_217 = vector.load %arg4[%swap3A_214, %swap3A_215, %swap3A_216] : memref<64x50x768xf32, #tpu.memory_space<vmem>>, vector<1x50x768xf32>
    %swap3A_218 = vector.shape_cast %swap3A_217 : vector<1x50x768xf32> to vector<50x768xf32>
    %swap3A_219 = vector.shape_cast %add3A_213 : vector<50x768xf32> to vector<1x50x768xf32>
    tpu.vector_store %arg4[%swap3A_214, %swap3A_215, %swap3A_216], %swap3A_219 {strides = array<i32>} : memref<64x50x768xf32, #tpu.memory_space<vmem>>, vector<1x50x768xf32>,
    %get3A_220 = arith.constant 650 : index
    %get3A_221 = arith.constant 0 : index
    %get3A_222 = vector.load %arg1[%get3A_220, %get3A_221] : memref<3200x384xf32, #tpu.memory_space<vmem>>, vector<50x300xf32>
    %convert_element_type3A_223 = arith.truncf %get3A_222 : vector<50x300xf32> to vector<50x300xbf16>
    %dot_general3A_224 = arith.constant dense<0.000000e+00> : vector<50x768xf32>
    %dot_general3A_225 = tpu.matmul %convert_element_type3A_223, %convert_element_type3A, %dot_general3A_224 {dimension_numbers = #tpu.dot_dimension_numbers<[1], [0], [0], [1], [0, 0, 1, 1], [], []>, transpose_lhs_hint = false} : vector<50x300xbf16>, vector<300x768xbf16>, vector<50x768xf32> -> vector<50x768xf32>
    %get3A_226 = arith.constant 0 : index
    %get3A_227 = arith.constant 0 : index
    %get3A_228 = vector.load %arg3[%get3A_226, %get3A_227] : memref<1x768xf32, #tpu.memory_space<vmem>>, vector<1x768xf32>
    %add3A_229 = vector.broadcast %get3A_228 : vector<1x768xf32> to vector<50x768xf32>
    %add3A_230 = arith.addf %dot_general3A_225, %add3A_229 : vector<50x768xf32>
    %swap3A_231 = arith.constant 13 : index
    %swap3A_232 = arith.constant 0 : index
    %swap3A_233 = arith.constant 0 : index
    %swap3A_234 = vector.load %arg4[%swap3A_231, %swap3A_232, %swap3A_233] : memref<64x50x768xf32, #tpu.memory_space<vmem>>, vector<1x50x768xf32>
    %swap3A_235 = vector.shape_cast %swap3A_234 : vector<1x50x768xf32> to vector<50x768xf32>
    %swap3A_236 = vector.shape_cast %add3A_230 : vector<50x768xf32> to vector<1x50x768xf32>
    tpu.vector_store %arg4[%swap3A_231, %swap3A_232, %swap3A_233], %swap3A_236 {strides = array<i32>} : memref<64x50x768xf32, #tpu.memory_space<vmem>>, vector<1x50x768xf32>,
    %get3A_237 = arith.constant 700 : index
    %get3A_238 = arith.constant 0 : index
    %get3A_239 = vector.load %arg1[%get3A_237, %get3A_238] : memref<3200x384xf32, #tpu.memory_space<vmem>>, vector<50x300xf32>
    %convert_element_type3A_240 = arith.truncf %get3A_239 : vector<50x300xf32> to vector<50x300xbf16>
    %dot_general3A_241 = arith.constant dense<0.000000e+00> : vector<50x768xf32>
    %dot_general3A_242 = tpu.matmul %convert_element_type3A_240, %convert_element_type3A, %dot_general3A_241 {dimension_numbers = #tpu.dot_dimension_numbers<[1], [0], [0], [1], [0, 0, 1, 1], [], []>, transpose_lhs_hint = false} : vector<50x300xbf16>, vector<300x768xbf16>, vector<50x768xf32> -> vector<50x768xf32>
    %get3A_243 = arith.constant 0 : index
    %get3A_244 = arith.constant 0 : index
    %get3A_245 = vector.load %arg3[%get3A_243, %get3A_244] : memref<1x768xf32, #tpu.memory_space<vmem>>, vector<1x768xf32>
    %add3A_246 = vector.broadcast %get3A_245 : vector<1x768xf32> to vector<50x768xf32>
    %add3A_247 = arith.addf %dot_general3A_242, %add3A_246 : vector<50x768xf32>
    %swap3A_248 = arith.constant 14 : index
    %swap3A_249 = arith.constant 0 : index
    %swap3A_250 = arith.constant 0 : index
    %swap3A_251 = vector.load %arg4[%swap3A_248, %swap3A_249, %swap3A_250] : memref<64x50x768xf32, #tpu.memory_space<vmem>>, vector<1x50x768xf32>
    %swap3A_252 = vector.shape_cast %swap3A_251 : vector<1x50x768xf32> to vector<50x768xf32>
    %swap3A_253 = vector.shape_cast %add3A_247 : vector<50x768xf32> to vector<1x50x768xf32>
    tpu.vector_store %arg4[%swap3A_248, %swap3A_249, %swap3A_250], %swap3A_253 {strides = array<i32>} : memref<64x50x768xf32, #tpu.memory_space<vmem>>, vector<1x50x768xf32>,
    %get3A_254 = arith.constant 750 : index
    %get3A_255 = arith.constant 0 : index
    %get3A_256 = vector.load %arg1[%get3A_254, %get3A_255] : memref<3200x384xf32, #tpu.memory_space<vmem>>, vector<50x300xf32>
    %convert_element_type3A_257 = arith.truncf %get3A_256 : vector<50x300xf32> to vector<50x300xbf16>
    %dot_general3A_258 = arith.constant dense<0.000000e+00> : vector<50x768xf32>
    %dot_general3A_259 = tpu.matmul %convert_element_type3A_257, %convert_element_type3A, %dot_general3A_258 {dimension_numbers = #tpu.dot_dimension_numbers<[1], [0], [0], [1], [0, 0, 1, 1], [], []>, transpose_lhs_hint = false} : vector<50x300xbf16>, vector<300x768xbf16>, vector<50x768xf32> -> vector<50x768xf32>
    %get3A_260 = arith.constant 0 : index
    %get3A_261 = arith.constant 0 : index
    %get3A_262 = vector.load %arg3[%get3A_260, %get3A_261] : memref<1x768xf32, #tpu.memory_space<vmem>>, vector<1x768xf32>
    %add3A_263 = vector.broadcast %get3A_262 : vector<1x768xf32> to vector<50x768xf32>
    %add3A_264 = arith.addf %dot_general3A_259, %add3A_263 : vector<50x768xf32>
    %swap3A_265 = arith.constant 15 : index
    %swap3A_266 = arith.constant 0 : index
    %swap3A_267 = arith.constant 0 : index
    %swap3A_268 = vector.load %arg4[%swap3A_265, %swap3A_266, %swap3A_267] : memref<64x50x768xf32, #tpu.memory_space<vmem>>, vector<1x50x768xf32>
    %swap3A_269 = vector.shape_cast %swap3A_268 : vector<1x50x768xf32> to vector<50x768xf32>
    %swap3A_270 = vector.shape_cast %add3A_264 : vector<50x768xf32> to vector<1x50x768xf32>
    tpu.vector_store %arg4[%swap3A_265, %swap3A_266, %swap3A_267], %swap3A_270 {strides = array<i32>} : memref<64x50x768xf32, #tpu.memory_space<vmem>>, vector<1x50x768xf32>,
    %get3A_271 = arith.constant 800 : index
    %get3A_272 = arith.constant 0 : index
    %get3A_273 = vector.load %arg1[%get3A_271, %get3A_272] : memref<3200x384xf32, #tpu.memory_space<vmem>>, vector<50x300xf32>
    %convert_element_type3A_274 = arith.truncf %get3A_273 : vector<50x300xf32> to vector<50x300xbf16>
    %dot_general3A_275 = arith.constant dense<0.000000e+00> : vector<50x768xf32>
    %dot_general3A_276 = tpu.matmul %convert_element_type3A_274, %convert_element_type3A, %dot_general3A_275 {dimension_numbers = #tpu.dot_dimension_numbers<[1], [0], [0], [1], [0, 0, 1, 1], [], []>, transpose_lhs_hint = false} : vector<50x300xbf16>, vector<300x768xbf16>, vector<50x768xf32> -> vector<50x768xf32>
    %get3A_277 = arith.constant 0 : index
    %get3A_278 = arith.constant 0 : index
    %get3A_279 = vector.load %arg3[%get3A_277, %get3A_278] : memref<1x768xf32, #tpu.memory_space<vmem>>, vector<1x768xf32>
    %add3A_280 = vector.broadcast %get3A_279 : vector<1x768xf32> to vector<50x768xf32>
    %add3A_281 = arith.addf %dot_general3A_276, %add3A_280 : vector<50x768xf32>
    %swap3A_282 = arith.constant 16 : index
    %swap3A_283 = arith.constant 0 : index
    %swap3A_284 = arith.constant 0 : index
    %swap3A_285 = vector.load %arg4[%swap3A_282, %swap3A_283, %swap3A_284] : memref<64x50x768xf32, #tpu.memory_space<vmem>>, vector<1x50x768xf32>
    %swap3A_286 = vector.shape_cast %swap3A_285 : vector<1x50x768xf32> to vector<50x768xf32>
    %swap3A_287 = vector.shape_cast %add3A_281 : vector<50x768xf32> to vector<1x50x768xf32>
    tpu.vector_store %arg4[%swap3A_282, %swap3A_283, %swap3A_284], %swap3A_287 {strides = array<i32>} : memref<64x50x768xf32, #tpu.memory_space<vmem>>, vector<1x50x768xf32>,
    %get3A_288 = arith.constant 850 : index
    %get3A_289 = arith.constant 0 : index
    %get3A_290 = vector.load %arg1[%get3A_288, %get3A_289] : memref<3200x384xf32, #tpu.memory_space<vmem>>, vector<50x300xf32>
    %convert_element_type3A_291 = arith.truncf %get3A_290 : vector<50x300xf32> to vector<50x300xbf16>
    %dot_general3A_292 = arith.constant dense<0.000000e+00> : vector<50x768xf32>
    %dot_general3A_293 = tpu.matmul %convert_element_type3A_291, %convert_element_type3A, %dot_general3A_292 {dimension_numbers = #tpu.dot_dimension_numbers<[1], [0], [0], [1], [0, 0, 1, 1], [], []>, transpose_lhs_hint = false} : vector<50x300xbf16>, vector<300x768xbf16>, vector<50x768xf32> -> vector<50x768xf32>
    %get3A_294 = arith.constant 0 : index
    %get3A_295 = arith.constant 0 : index
    %get3A_296 = vector.load %arg3[%get3A_294, %get3A_295] : memref<1x768xf32, #tpu.memory_space<vmem>>, vector<1x768xf32>
    %add3A_297 = vector.broadcast %get3A_296 : vector<1x768xf32> to vector<50x768xf32>
    %add3A_298 = arith.addf %dot_general3A_293, %add3A_297 : vector<50x768xf32>
    %swap3A_299 = arith.constant 17 : index
    %swap3A_300 = arith.constant 0 : index
    %swap3A_301 = arith.constant 0 : index
    %swap3A_302 = vector.load %arg4[%swap3A_299, %swap3A_300, %swap3A_301] : memref<64x50x768xf32, #tpu.memory_space<vmem>>, vector<1x50x768xf32>
    %swap3A_303 = vector.shape_cast %swap3A_302 : vector<1x50x768xf32> to vector<50x768xf32>
    %swap3A_304 = vector.shape_cast %add3A_298 : vector<50x768xf32> to vector<1x50x768xf32>
    tpu.vector_store %arg4[%swap3A_299, %swap3A_300, %swap3A_301], %swap3A_304 {strides = array<i32>} : memref<64x50x768xf32, #tpu.memory_space<vmem>>, vector<1x50x768xf32>,
    %get3A_305 = arith.constant 900 : index
    %get3A_306 = arith.constant 0 : index
    %get3A_307 = vector.load %arg1[%get3A_305, %get3A_306] : memref<3200x384xf32, #tpu.memory_space<vmem>>, vector<50x300xf32>
    %convert_element_type3A_308 = arith.truncf %get3A_307 : vector<50x300xf32> to vector<50x300xbf16>
    %dot_general3A_309 = arith.constant dense<0.000000e+00> : vector<50x768xf32>
    %dot_general3A_310 = tpu.matmul %convert_element_type3A_308, %convert_element_type3A, %dot_general3A_309 {dimension_numbers = #tpu.dot_dimension_numbers<[1], [0], [0], [1], [0, 0, 1, 1], [], []>, transpose_lhs_hint = false} : vector<50x300xbf16>, vector<300x768xbf16>, vector<50x768xf32> -> vector<50x768xf32>
    %get3A_311 = arith.constant 0 : index
    %get3A_312 = arith.constant 0 : index
    %get3A_313 = vector.load %arg3[%get3A_311, %get3A_312] : memref<1x768xf32, #tpu.memory_space<vmem>>, vector<1x768xf32>
    %add3A_314 = vector.broadcast %get3A_313 : vector<1x768xf32> to vector<50x768xf32>
    %add3A_315 = arith.addf %dot_general3A_310, %add3A_314 : vector<50x768xf32>
    %swap3A_316 = arith.constant 18 : index
    %swap3A_317 = arith.constant 0 : index
    %swap3A_318 = arith.constant 0 : index
    %swap3A_319 = vector.load %arg4[%swap3A_316, %swap3A_317, %swap3A_318] : memref<64x50x768xf32, #tpu.memory_space<vmem>>, vector<1x50x768xf32>
    %swap3A_320 = vector.shape_cast %swap3A_319 : vector<1x50x768xf32> to vector<50x768xf32>
    %swap3A_321 = vector.shape_cast %add3A_315 : vector<50x768xf32> to vector<1x50x768xf32>
    tpu.vector_store %arg4[%swap3A_316, %swap3A_317, %swap3A_318], %swap3A_321 {strides = array<i32>} : memref<64x50x768xf32, #tpu.memory_space<vmem>>, vector<1x50x768xf32>,
    %get3A_322 = arith.constant 950 : index
    %get3A_323 = arith.constant 0 : index
    %get3A_324 = vector.load %arg1[%get3A_322, %get3A_323] : memref<3200x384xf32, #tpu.memory_space<vmem>>, vector<50x300xf32>
    %convert_element_type3A_325 = arith.truncf %get3A_324 : vector<50x300xf32> to vector<50x300xbf16>
    %dot_general3A_326 = arith.constant dense<0.000000e+00> : vector<50x768xf32>
    %dot_general3A_327 = tpu.matmul %convert_element_type3A_325, %convert_element_type3A, %dot_general3A_326 {dimension_numbers = #tpu.dot_dimension_numbers<[1], [0], [0], [1], [0, 0, 1, 1], [], []>, transpose_lhs_hint = false} : vector<50x300xbf16>, vector<300x768xbf16>, vector<50x768xf32> -> vector<50x768xf32>
    %get3A_328 = arith.constant 0 : index
    %get3A_329 = arith.constant 0 : index
    %get3A_330 = vector.load %arg3[%get3A_328, %get3A_329] : memref<1x768xf32, #tpu.memory_space<vmem>>, vector<1x768xf32>
    %add3A_331 = vector.broadcast %get3A_330 : vector<1x768xf32> to vector<50x768xf32>
    %add3A_332 = arith.addf %dot_general3A_327, %add3A_331 : vector<50x768xf32>
    %swap3A_333 = arith.constant 19 : index
    %swap3A_334 = arith.constant 0 : index
    %swap3A_335 = arith.constant 0 : index
    %swap3A_336 = vector.load %arg4[%swap3A_333, %swap3A_334, %swap3A_335] : memref<64x50x768xf32, #tpu.memory_space<vmem>>, vector<1x50x768xf32>
    %swap3A_337 = vector.shape_cast %swap3A_336 : vector<1x50x768xf32> to vector<50x768xf32>
    %swap3A_338 = vector.shape_cast %add3A_332 : vector<50x768xf32> to vector<1x50x768xf32>
    tpu.vector_store %arg4[%swap3A_333, %swap3A_334, %swap3A_335], %swap3A_338 {strides = array<i32>} : memref<64x50x768xf32, #tpu.memory_space<vmem>>, vector<1x50x768xf32>,
    %get3A_339 = arith.constant 1000 : index
    %get3A_340 = arith.constant 0 : index
    %get3A_341 = vector.load %arg1[%get3A_339, %get3A_340] : memref<3200x384xf32, #tpu.memory_space<vmem>>, vector<50x300xf32>
    %convert_element_type3A_342 = arith.truncf %get3A_341 : vector<50x300xf32> to vector<50x300xbf16>
    %dot_general3A_343 = arith.constant dense<0.000000e+00> : vector<50x768xf32>
    %dot_general3A_344 = tpu.matmul %convert_element_type3A_342, %convert_element_type3A, %dot_general3A_343 {dimension_numbers = #tpu.dot_dimension_numbers<[1], [0], [0], [1], [0, 0, 1, 1], [], []>, transpose_lhs_hint = false} : vector<50x300xbf16>, vector<300x768xbf16>, vector<50x768xf32> -> vector<50x768xf32>
    %get3A_345 = arith.constant 0 : index
    %get3A_346 = arith.constant 0 : index
    %get3A_347 = vector.load %arg3[%get3A_345, %get3A_346] : memref<1x768xf32, #tpu.memory_space<vmem>>, vector<1x768xf32>
    %add3A_348 = vector.broadcast %get3A_347 : vector<1x768xf32> to vector<50x768xf32>
    %add3A_349 = arith.addf %dot_general3A_344, %add3A_348 : vector<50x768xf32>
    %swap3A_350 = arith.constant 20 : index
    %swap3A_351 = arith.constant 0 : index
    %swap3A_352 = arith.constant 0 : index
    %swap3A_353 = vector.load %arg4[%swap3A_350, %swap3A_351, %swap3A_352] : memref<64x50x768xf32, #tpu.memory_space<vmem>>, vector<1x50x768xf32>
    %swap3A_354 = vector.shape_cast %swap3A_353 : vector<1x50x768xf32> to vector<50x768xf32>
    %swap3A_355 = vector.shape_cast %add3A_349 : vector<50x768xf32> to vector<1x50x768xf32>
    tpu.vector_store %arg4[%swap3A_350, %swap3A_351, %swap3A_352], %swap3A_355 {strides = array<i32>} : memref<64x50x768xf32, #tpu.memory_space<vmem>>, vector<1x50x768xf32>,
    %get3A_356 = arith.constant 1050 : index
    %get3A_357 = arith.constant 0 : index
    %get3A_358 = vector.load %arg1[%get3A_356, %get3A_357] : memref<3200x384xf32, #tpu.memory_space<vmem>>, vector<50x300xf32>
    %convert_element_type3A_359 = arith.truncf %get3A_358 : vector<50x300xf32> to vector<50x300xbf16>
    %dot_general3A_360 = arith.constant dense<0.000000e+00> : vector<50x768xf32>
    %dot_general3A_361 = tpu.matmul %convert_element_type3A_359, %convert_element_type3A, %dot_general3A_360 {dimension_numbers = #tpu.dot_dimension_numbers<[1], [0], [0], [1], [0, 0, 1, 1], [], []>, transpose_lhs_hint = false} : vector<50x300xbf16>, vector<300x768xbf16>, vector<50x768xf32> -> vector<50x768xf32>
    %get3A_362 = arith.constant 0 : index
    %get3A_363 = arith.constant 0 : index
    %get3A_364 = vector.load %arg3[%get3A_362, %get3A_363] : memref<1x768xf32, #tpu.memory_space<vmem>>, vector<1x768xf32>
    %add3A_365 = vector.broadcast %get3A_364 : vector<1x768xf32> to vector<50x768xf32>
    %add3A_366 = arith.addf %dot_general3A_361, %add3A_365 : vector<50x768xf32>
    %swap3A_367 = arith.constant 21 : index
    %swap3A_368 = arith.constant 0 : index
    %swap3A_369 = arith.constant 0 : index
    %swap3A_370 = vector.load %arg4[%swap3A_367, %swap3A_368, %swap3A_369] : memref<64x50x768xf32, #tpu.memory_space<vmem>>, vector<1x50x768xf32>
    %swap3A_371 = vector.shape_cast %swap3A_370 : vector<1x50x768xf32> to vector<50x768xf32>
    %swap3A_372 = vector.shape_cast %add3A_366 : vector<50x768xf32> to vector<1x50x768xf32>
    tpu.vector_store %arg4[%swap3A_367, %swap3A_368, %swap3A_369], %swap3A_372 {strides = array<i32>} : memref<64x50x768xf32, #tpu.memory_space<vmem>>, vector<1x50x768xf32>,
    %get3A_373 = arith.constant 1100 : index
    %get3A_374 = arith.constant 0 : index
    %get3A_375 = vector.load %arg1[%get3A_373, %get3A_374] : memref<3200x384xf32, #tpu.memory_space<vmem>>, vector<50x300xf32>
    %convert_element_type3A_376 = arith.truncf %get3A_375 : vector<50x300xf32> to vector<50x300xbf16>
    %dot_general3A_377 = arith.constant dense<0.000000e+00> : vector<50x768xf32>
    %dot_general3A_378 = tpu.matmul %convert_element_type3A_376, %convert_element_type3A, %dot_general3A_377 {dimension_numbers = #tpu.dot_dimension_numbers<[1], [0], [0], [1], [0, 0, 1, 1], [], []>, transpose_lhs_hint = false} : vector<50x300xbf16>, vector<300x768xbf16>, vector<50x768xf32> -> vector<50x768xf32>
    %get3A_379 = arith.constant 0 : index
    %get3A_380 = arith.constant 0 : index
    %get3A_381 = vector.load %arg3[%get3A_379, %get3A_380] : memref<1x768xf32, #tpu.memory_space<vmem>>, vector<1x768xf32>
    %add3A_382 = vector.broadcast %get3A_381 : vector<1x768xf32> to vector<50x768xf32>
    %add3A_383 = arith.addf %dot_general3A_378, %add3A_382 : vector<50x768xf32>
    %swap3A_384 = arith.constant 22 : index
    %swap3A_385 = arith.constant 0 : index
    %swap3A_386 = arith.constant 0 : index
    %swap3A_387 = vector.load %arg4[%swap3A_384, %swap3A_385, %swap3A_386] : memref<64x50x768xf32, #tpu.memory_space<vmem>>, vector<1x50x768xf32>
    %swap3A_388 = vector.shape_cast %swap3A_387 : vector<1x50x768xf32> to vector<50x768xf32>
    %swap3A_389 = vector.shape_cast %add3A_383 : vector<50x768xf32> to vector<1x50x768xf32>
    tpu.vector_store %arg4[%swap3A_384, %swap3A_385, %swap3A_386], %swap3A_389 {strides = array<i32>} : memref<64x50x768xf32, #tpu.memory_space<vmem>>, vector<1x50x768xf32>,
    %get3A_390 = arith.constant 1150 : index
    %get3A_391 = arith.constant 0 : index
    %get3A_392 = vector.load %arg1[%get3A_390, %get3A_391] : memref<3200x384xf32, #tpu.memory_space<vmem>>, vector<50x300xf32>
    %convert_element_type3A_393 = arith.truncf %get3A_392 : vector<50x300xf32> to vector<50x300xbf16>
    %dot_general3A_394 = arith.constant dense<0.000000e+00> : vector<50x768xf32>
    %dot_general3A_395 = tpu.matmul %convert_element_type3A_393, %convert_element_type3A, %dot_general3A_394 {dimension_numbers = #tpu.dot_dimension_numbers<[1], [0], [0], [1], [0, 0, 1, 1], [], []>, transpose_lhs_hint = false} : vector<50x300xbf16>, vector<300x768xbf16>, vector<50x768xf32> -> vector<50x768xf32>
    %get3A_396 = arith.constant 0 : index
    %get3A_397 = arith.constant 0 : index
    %get3A_398 = vector.load %arg3[%get3A_396, %get3A_397] : memref<1x768xf32, #tpu.memory_space<vmem>>, vector<1x768xf32>
    %add3A_399 = vector.broadcast %get3A_398 : vector<1x768xf32> to vector<50x768xf32>
    %add3A_400 = arith.addf %dot_general3A_395, %add3A_399 : vector<50x768xf32>
    %swap3A_401 = arith.constant 23 : index
    %swap3A_402 = arith.constant 0 : index
    %swap3A_403 = arith.constant 0 : index
    %swap3A_404 = vector.load %arg4[%swap3A_401, %swap3A_402, %swap3A_403] : memref<64x50x768xf32, #tpu.memory_space<vmem>>, vector<1x50x768xf32>
    %swap3A_405 = vector.shape_cast %swap3A_404 : vector<1x50x768xf32> to vector<50x768xf32>
    %swap3A_406 = vector.shape_cast %add3A_400 : vector<50x768xf32> to vector<1x50x768xf32>
    tpu.vector_store %arg4[%swap3A_401, %swap3A_402, %swap3A_403], %swap3A_406 {strides = array<i32>} : memref<64x50x768xf32, #tpu.memory_space<vmem>>, vector<1x50x768xf32>,
    %get3A_407 = arith.constant 1200 : index
    %get3A_408 = arith.constant 0 : index
    %get3A_409 = vector.load %arg1[%get3A_407, %get3A_408] : memref<3200x384xf32, #tpu.memory_space<vmem>>, vector<50x300xf32>
    %convert_element_type3A_410 = arith.truncf %get3A_409 : vector<50x300xf32> to vector<50x300xbf16>
    %dot_general3A_411 = arith.constant dense<0.000000e+00> : vector<50x768xf32>
    %dot_general3A_412 = tpu.matmul %convert_element_type3A_410, %convert_element_type3A, %dot_general3A_411 {dimension_numbers = #tpu.dot_dimension_numbers<[1], [0], [0], [1], [0, 0, 1, 1], [], []>, transpose_lhs_hint = false} : vector<50x300xbf16>, vector<300x768xbf16>, vector<50x768xf32> -> vector<50x768xf32>
    %get3A_413 = arith.constant 0 : index
    %get3A_414 = arith.constant 0 : index
    %get3A_415 = vector.load %arg3[%get3A_413, %get3A_414] : memref<1x768xf32, #tpu.memory_space<vmem>>, vector<1x768xf32>
    %add3A_416 = vector.broadcast %get3A_415 : vector<1x768xf32> to vector<50x768xf32>
    %add3A_417 = arith.addf %dot_general3A_412, %add3A_416 : vector<50x768xf32>
    %swap3A_418 = arith.constant 24 : index
    %swap3A_419 = arith.constant 0 : index
    %swap3A_420 = arith.constant 0 : index
    %swap3A_421 = vector.load %arg4[%swap3A_418, %swap3A_419, %swap3A_420] : memref<64x50x768xf32, #tpu.memory_space<vmem>>, vector<1x50x768xf32>
    %swap3A_422 = vector.shape_cast %swap3A_421 : vector<1x50x768xf32> to vector<50x768xf32>
    %swap3A_423 = vector.shape_cast %add3A_417 : vector<50x768xf32> to vector<1x50x768xf32>
    tpu.vector_store %arg4[%swap3A_418, %swap3A_419, %swap3A_420], %swap3A_423 {strides = array<i32>} : memref<64x50x768xf32, #tpu.memory_space<vmem>>, vector<1x50x768xf32>,
    %get3A_424 = arith.constant 1250 : index
    %get3A_425 = arith.constant 0 : index
    %get3A_426 = vector.load %arg1[%get3A_424, %get3A_425] : memref<3200x384xf32, #tpu.memory_space<vmem>>, vector<50x300xf32>
    %convert_element_type3A_427 = arith.truncf %get3A_426 : vector<50x300xf32> to vector<50x300xbf16>
    %dot_general3A_428 = arith.constant dense<0.000000e+00> : vector<50x768xf32>
    %dot_general3A_429 = tpu.matmul %convert_element_type3A_427, %convert_element_type3A, %dot_general3A_428 {dimension_numbers = #tpu.dot_dimension_numbers<[1], [0], [0], [1], [0, 0, 1, 1], [], []>, transpose_lhs_hint = false} : vector<50x300xbf16>, vector<300x768xbf16>, vector<50x768xf32> -> vector<50x768xf32>
    %get3A_430 = arith.constant 0 : index
    %get3A_431 = arith.constant 0 : index
    %get3A_432 = vector.load %arg3[%get3A_430, %get3A_431] : memref<1x768xf32, #tpu.memory_space<vmem>>, vector<1x768xf32>
    %add3A_433 = vector.broadcast %get3A_432 : vector<1x768xf32> to vector<50x768xf32>
    %add3A_434 = arith.addf %dot_general3A_429, %add3A_433 : vector<50x768xf32>
    %swap3A_435 = arith.constant 25 : index
    %swap3A_436 = arith.constant 0 : index
    %swap3A_437 = arith.constant 0 : index
    %swap3A_438 = vector.load %arg4[%swap3A_435, %swap3A_436, %swap3A_437] : memref<64x50x768xf32, #tpu.memory_space<vmem>>, vector<1x50x768xf32>
    %swap3A_439 = vector.shape_cast %swap3A_438 : vector<1x50x768xf32> to vector<50x768xf32>
    %swap3A_440 = vector.shape_cast %add3A_434 : vector<50x768xf32> to vector<1x50x768xf32>
    tpu.vector_store %arg4[%swap3A_435, %swap3A_436, %swap3A_437], %swap3A_440 {strides = array<i32>} : memref<64x50x768xf32, #tpu.memory_space<vmem>>, vector<1x50x768xf32>,
    %get3A_441 = arith.constant 1300 : index
    %get3A_442 = arith.constant 0 : index
    %get3A_443 = vector.load %arg1[%get3A_441, %get3A_442] : memref<3200x384xf32, #tpu.memory_space<vmem>>, vector<50x300xf32>
    %convert_element_type3A_444 = arith.truncf %get3A_443 : vector<50x300xf32> to vector<50x300xbf16>
    %dot_general3A_445 = arith.constant dense<0.000000e+00> : vector<50x768xf32>
    %dot_general3A_446 = tpu.matmul %convert_element_type3A_444, %convert_element_type3A, %dot_general3A_445 {dimension_numbers = #tpu.dot_dimension_numbers<[1], [0], [0], [1], [0, 0, 1, 1], [], []>, transpose_lhs_hint = false} : vector<50x300xbf16>, vector<300x768xbf16>, vector<50x768xf32> -> vector<50x768xf32>
    %get3A_447 = arith.constant 0 : index
    %get3A_448 = arith.constant 0 : index
    %get3A_449 = vector.load %arg3[%get3A_447, %get3A_448] : memref<1x768xf32, #tpu.memory_space<vmem>>, vector<1x768xf32>
    %add3A_450 = vector.broadcast %get3A_449 : vector<1x768xf32> to vector<50x768xf32>
    %add3A_451 = arith.addf %dot_general3A_446, %add3A_450 : vector<50x768xf32>
    %swap3A_452 = arith.constant 26 : index
    %swap3A_453 = arith.constant 0 : index
    %swap3A_454 = arith.constant 0 : index
    %swap3A_455 = vector.load %arg4[%swap3A_452, %swap3A_453, %swap3A_454] : memref<64x50x768xf32, #tpu.memory_space<vmem>>, vector<1x50x768xf32>
    %swap3A_456 = vector.shape_cast %swap3A_455 : vector<1x50x768xf32> to vector<50x768xf32>
    %swap3A_457 = vector.shape_cast %add3A_451 : vector<50x768xf32> to vector<1x50x768xf32>
    tpu.vector_store %arg4[%swap3A_452, %swap3A_453, %swap3A_454], %swap3A_457 {strides = array<i32>} : memref<64x50x768xf32, #tpu.memory_space<vmem>>, vector<1x50x768xf32>,
    %get3A_458 = arith.constant 1350 : index
    %get3A_459 = arith.constant 0 : index
    %get3A_460 = vector.load %arg1[%get3A_458, %get3A_459] : memref<3200x384xf32, #tpu.memory_space<vmem>>, vector<50x300xf32>
    %convert_element_type3A_461 = arith.truncf %get3A_460 : vector<50x300xf32> to vector<50x300xbf16>
    %dot_general3A_462 = arith.constant dense<0.000000e+00> : vector<50x768xf32>
    %dot_general3A_463 = tpu.matmul %convert_element_type3A_461, %convert_element_type3A, %dot_general3A_462 {dimension_numbers = #tpu.dot_dimension_numbers<[1], [0], [0], [1], [0, 0, 1, 1], [], []>, transpose_lhs_hint = false} : vector<50x300xbf16>, vector<300x768xbf16>, vector<50x768xf32> -> vector<50x768xf32>
    %get3A_464 = arith.constant 0 : index
    %get3A_465 = arith.constant 0 : index
    %get3A_466 = vector.load %arg3[%get3A_464, %get3A_465] : memref<1x768xf32, #tpu.memory_space<vmem>>, vector<1x768xf32>
    %add3A_467 = vector.broadcast %get3A_466 : vector<1x768xf32> to vector<50x768xf32>
    %add3A_468 = arith.addf %dot_general3A_463, %add3A_467 : vector<50x768xf32>
    %swap3A_469 = arith.constant 27 : index
    %swap3A_470 = arith.constant 0 : index
    %swap3A_471 = arith.constant 0 : index
    %swap3A_472 = vector.load %arg4[%swap3A_469, %swap3A_470, %swap3A_471] : memref<64x50x768xf32, #tpu.memory_space<vmem>>, vector<1x50x768xf32>
    %swap3A_473 = vector.shape_cast %swap3A_472 : vector<1x50x768xf32> to vector<50x768xf32>
    %swap3A_474 = vector.shape_cast %add3A_468 : vector<50x768xf32> to vector<1x50x768xf32>
    tpu.vector_store %arg4[%swap3A_469, %swap3A_470, %swap3A_471], %swap3A_474 {strides = array<i32>} : memref<64x50x768xf32, #tpu.memory_space<vmem>>, vector<1x50x768xf32>,
    %get3A_475 = arith.constant 1400 : index
    %get3A_476 = arith.constant 0 : index
    %get3A_477 = vector.load %arg1[%get3A_475, %get3A_476] : memref<3200x384xf32, #tpu.memory_space<vmem>>, vector<50x300xf32>
    %convert_element_type3A_478 = arith.truncf %get3A_477 : vector<50x300xf32> to vector<50x300xbf16>
    %dot_general3A_479 = arith.constant dense<0.000000e+00> : vector<50x768xf32>
    %dot_general3A_480 = tpu.matmul %convert_element_type3A_478, %convert_element_type3A, %dot_general3A_479 {dimension_numbers = #tpu.dot_dimension_numbers<[1], [0], [0], [1], [0, 0, 1, 1], [], []>, transpose_lhs_hint = false} : vector<50x300xbf16>, vector<300x768xbf16>, vector<50x768xf32> -> vector<50x768xf32>
    %get3A_481 = arith.constant 0 : index
    %get3A_482 = arith.constant 0 : index
    %get3A_483 = vector.load %arg3[%get3A_481, %get3A_482] : memref<1x768xf32, #tpu.memory_space<vmem>>, vector<1x768xf32>
    %add3A_484 = vector.broadcast %get3A_483 : vector<1x768xf32> to vector<50x768xf32>
    %add3A_485 = arith.addf %dot_general3A_480, %add3A_484 : vector<50x768xf32>
    %swap3A_486 = arith.constant 28 : index
    %swap3A_487 = arith.constant 0 : index
    %swap3A_488 = arith.constant 0 : index
    %swap3A_489 = vector.load %arg4[%swap3A_486, %swap3A_487, %swap3A_488] : memref<64x50x768xf32, #tpu.memory_space<vmem>>, vector<1x50x768xf32>
    %swap3A_490 = vector.shape_cast %swap3A_489 : vector<1x50x768xf32> to vector<50x768xf32>
    %swap3A_491 = vector.shape_cast %add3A_485 : vector<50x768xf32> to vector<1x50x768xf32>
    tpu.vector_store %arg4[%swap3A_486, %swap3A_487, %swap3A_488], %swap3A_491 {strides = array<i32>} : memref<64x50x768xf32, #tpu.memory_space<vmem>>, vector<1x50x768xf32>,
    %get3A_492 = arith.constant 1450 : index
    %get3A_493 = arith.constant 0 : index
    %get3A_494 = vector.load %arg1[%get3A_492, %get3A_493] : memref<3200x384xf32, #tpu.memory_space<vmem>>, vector<50x300xf32>
    %convert_element_type3A_495 = arith.truncf %get3A_494 : vector<50x300xf32> to vector<50x300xbf16>
    %dot_general3A_496 = arith.constant dense<0.000000e+00> : vector<50x768xf32>
    %dot_general3A_497 = tpu.matmul %convert_element_type3A_495, %convert_element_type3A, %dot_general3A_496 {dimension_numbers = #tpu.dot_dimension_numbers<[1], [0], [0], [1], [0, 0, 1, 1], [], []>, transpose_lhs_hint = false} : vector<50x300xbf16>, vector<300x768xbf16>, vector<50x768xf32> -> vector<50x768xf32>
    %get3A_498 = arith.constant 0 : index
    %get3A_499 = arith.constant 0 : index
    %get3A_500 = vector.load %arg3[%get3A_498, %get3A_499] : memref<1x768xf32, #tpu.memory_space<vmem>>, vector<1x768xf32>
    %add3A_501 = vector.broadcast %get3A_500 : vector<1x768xf32> to vector<50x768xf32>
    %add3A_502 = arith.addf %dot_general3A_497, %add3A_501 : vector<50x768xf32>
    %swap3A_503 = arith.constant 29 : index
    %swap3A_504 = arith.constant 0 : index
    %swap3A_505 = arith.constant 0 : index
    %swap3A_506 = vector.load %arg4[%swap3A_503, %swap3A_504, %swap3A_505] : memref<64x50x768xf32, #tpu.memory_space<vmem>>, vector<1x50x768xf32>
    %swap3A_507 = vector.shape_cast %swap3A_506 : vector<1x50x768xf32> to vector<50x768xf32>
    %swap3A_508 = vector.shape_cast %add3A_502 : vector<50x768xf32> to vector<1x50x768xf32>
    tpu.vector_store %arg4[%swap3A_503, %swap3A_504, %swap3A_505], %swap3A_508 {strides = array<i32>} : memref<64x50x768xf32, #tpu.memory_space<vmem>>, vector<1x50x768xf32>,
    %get3A_509 = arith.constant 1500 : index
    %get3A_510 = arith.constant 0 : index
    %get3A_511 = vector.load %arg1[%get3A_509, %get3A_510] : memref<3200x384xf32, #tpu.memory_space<vmem>>, vector<50x300xf32>
    %convert_element_type3A_512 = arith.truncf %get3A_511 : vector<50x300xf32> to vector<50x300xbf16>
    %dot_general3A_513 = arith.constant dense<0.000000e+00> : vector<50x768xf32>
    %dot_general3A_514 = tpu.matmul %convert_element_type3A_512, %convert_element_type3A, %dot_general3A_513 {dimension_numbers = #tpu.dot_dimension_numbers<[1], [0], [0], [1], [0, 0, 1, 1], [], []>, transpose_lhs_hint = false} : vector<50x300xbf16>, vector<300x768xbf16>, vector<50x768xf32> -> vector<50x768xf32>
    %get3A_515 = arith.constant 0 : index
    %get3A_516 = arith.constant 0 : index
    %get3A_517 = vector.load %arg3[%get3A_515, %get3A_516] : memref<1x768xf32, #tpu.memory_space<vmem>>, vector<1x768xf32>
    %add3A_518 = vector.broadcast %get3A_517 : vector<1x768xf32> to vector<50x768xf32>
    %add3A_519 = arith.addf %dot_general3A_514, %add3A_518 : vector<50x768xf32>
    %swap3A_520 = arith.constant 30 : index
    %swap3A_521 = arith.constant 0 : index
    %swap3A_522 = arith.constant 0 : index
    %swap3A_523 = vector.load %arg4[%swap3A_520, %swap3A_521, %swap3A_522] : memref<64x50x768xf32, #tpu.memory_space<vmem>>, vector<1x50x768xf32>
    %swap3A_524 = vector.shape_cast %swap3A_523 : vector<1x50x768xf32> to vector<50x768xf32>
    %swap3A_525 = vector.shape_cast %add3A_519 : vector<50x768xf32> to vector<1x50x768xf32>
    tpu.vector_store %arg4[%swap3A_520, %swap3A_521, %swap3A_522], %swap3A_525 {strides = array<i32>} : memref<64x50x768xf32, #tpu.memory_space<vmem>>, vector<1x50x768xf32>,
    %get3A_526 = arith.constant 1550 : index
    %get3A_527 = arith.constant 0 : index
    %get3A_528 = vector.load %arg1[%get3A_526, %get3A_527] : memref<3200x384xf32, #tpu.memory_space<vmem>>, vector<50x300xf32>
    %convert_element_type3A_529 = arith.truncf %get3A_528 : vector<50x300xf32> to vector<50x300xbf16>
    %dot_general3A_530 = arith.constant dense<0.000000e+00> : vector<50x768xf32>
    %dot_general3A_531 = tpu.matmul %convert_element_type3A_529, %convert_element_type3A, %dot_general3A_530 {dimension_numbers = #tpu.dot_dimension_numbers<[1], [0], [0], [1], [0, 0, 1, 1], [], []>, transpose_lhs_hint = false} : vector<50x300xbf16>, vector<300x768xbf16>, vector<50x768xf32> -> vector<50x768xf32>
    %get3A_532 = arith.constant 0 : index
    %get3A_533 = arith.constant 0 : index
    %get3A_534 = vector.load %arg3[%get3A_532, %get3A_533] : memref<1x768xf32, #tpu.memory_space<vmem>>, vector<1x768xf32>
    %add3A_535 = vector.broadcast %get3A_534 : vector<1x768xf32> to vector<50x768xf32>
    %add3A_536 = arith.addf %dot_general3A_531, %add3A_535 : vector<50x768xf32>
    %swap3A_537 = arith.constant 31 : index
    %swap3A_538 = arith.constant 0 : index
    %swap3A_539 = arith.constant 0 : index
    %swap3A_540 = vector.load %arg4[%swap3A_537, %swap3A_538, %swap3A_539] : memref<64x50x768xf32, #tpu.memory_space<vmem>>, vector<1x50x768xf32>
    %swap3A_541 = vector.shape_cast %swap3A_540 : vector<1x50x768xf32> to vector<50x768xf32>
    %swap3A_542 = vector.shape_cast %add3A_536 : vector<50x768xf32> to vector<1x50x768xf32>
    tpu.vector_store %arg4[%swap3A_537, %swap3A_538, %swap3A_539], %swap3A_542 {strides = array<i32>} : memref<64x50x768xf32, #tpu.memory_space<vmem>>, vector<1x50x768xf32>,
    %get3A_543 = arith.constant 1600 : index
    %get3A_544 = arith.constant 0 : index
    %get3A_545 = vector.load %arg1[%get3A_543, %get3A_544] : memref<3200x384xf32, #tpu.memory_space<vmem>>, vector<50x300xf32>
    %convert_element_type3A_546 = arith.truncf %get3A_545 : vector<50x300xf32> to vector<50x300xbf16>
    %dot_general3A_547 = arith.constant dense<0.000000e+00> : vector<50x768xf32>
    %dot_general3A_548 = tpu.matmul %convert_element_type3A_546, %convert_element_type3A, %dot_general3A_547 {dimension_numbers = #tpu.dot_dimension_numbers<[1], [0], [0], [1], [0, 0, 1, 1], [], []>, transpose_lhs_hint = false} : vector<50x300xbf16>, vector<300x768xbf16>, vector<50x768xf32> -> vector<50x768xf32>
    %get3A_549 = arith.constant 0 : index
    %get3A_550 = arith.constant 0 : index
    %get3A_551 = vector.load %arg3[%get3A_549, %get3A_550] : memref<1x768xf32, #tpu.memory_space<vmem>>, vector<1x768xf32>
    %add3A_552 = vector.broadcast %get3A_551 : vector<1x768xf32> to vector<50x768xf32>
    %add3A_553 = arith.addf %dot_general3A_548, %add3A_552 : vector<50x768xf32>
    %swap3A_554 = arith.constant 32 : index
    %swap3A_555 = arith.constant 0 : index
    %swap3A_556 = arith.constant 0 : index
    %swap3A_557 = vector.load %arg4[%swap3A_554, %swap3A_555, %swap3A_556] : memref<64x50x768xf32, #tpu.memory_space<vmem>>, vector<1x50x768xf32>
    %swap3A_558 = vector.shape_cast %swap3A_557 : vector<1x50x768xf32> to vector<50x768xf32>
    %swap3A_559 = vector.shape_cast %add3A_553 : vector<50x768xf32> to vector<1x50x768xf32>
    tpu.vector_store %arg4[%swap3A_554, %swap3A_555, %swap3A_556], %swap3A_559 {strides = array<i32>} : memref<64x50x768xf32, #tpu.memory_space<vmem>>, vector<1x50x768xf32>,
    %get3A_560 = arith.constant 1650 : index
    %get3A_561 = arith.constant 0 : index
    %get3A_562 = vector.load %arg1[%get3A_560, %get3A_561] : memref<3200x384xf32, #tpu.memory_space<vmem>>, vector<50x300xf32>
    %convert_element_type3A_563 = arith.truncf %get3A_562 : vector<50x300xf32> to vector<50x300xbf16>
    %dot_general3A_564 = arith.constant dense<0.000000e+00> : vector<50x768xf32>
    %dot_general3A_565 = tpu.matmul %convert_element_type3A_563, %convert_element_type3A, %dot_general3A_564 {dimension_numbers = #tpu.dot_dimension_numbers<[1], [0], [0], [1], [0, 0, 1, 1], [], []>, transpose_lhs_hint = false} : vector<50x300xbf16>, vector<300x768xbf16>, vector<50x768xf32> -> vector<50x768xf32>
    %get3A_566 = arith.constant 0 : index
    %get3A_567 = arith.constant 0 : index
    %get3A_568 = vector.load %arg3[%get3A_566, %get3A_567] : memref<1x768xf32, #tpu.memory_space<vmem>>, vector<1x768xf32>
    %add3A_569 = vector.broadcast %get3A_568 : vector<1x768xf32> to vector<50x768xf32>
    %add3A_570 = arith.addf %dot_general3A_565, %add3A_569 : vector<50x768xf32>
    %swap3A_571 = arith.constant 33 : index
    %swap3A_572 = arith.constant 0 : index
    %swap3A_573 = arith.constant 0 : index
    %swap3A_574 = vector.load %arg4[%swap3A_571, %swap3A_572, %swap3A_573] : memref<64x50x768xf32, #tpu.memory_space<vmem>>, vector<1x50x768xf32>
    %swap3A_575 = vector.shape_cast %swap3A_574 : vector<1x50x768xf32> to vector<50x768xf32>
    %swap3A_576 = vector.shape_cast %add3A_570 : vector<50x768xf32> to vector<1x50x768xf32>
    tpu.vector_store %arg4[%swap3A_571, %swap3A_572, %swap3A_573], %swap3A_576 {strides = array<i32>} : memref<64x50x768xf32, #tpu.memory_space<vmem>>, vector<1x50x768xf32>,
    %get3A_577 = arith.constant 1700 : index
    %get3A_578 = arith.constant 0 : index
    %get3A_579 = vector.load %arg1[%get3A_577, %get3A_578] : memref<3200x384xf32, #tpu.memory_space<vmem>>, vector<50x300xf32>
    %convert_element_type3A_580 = arith.truncf %get3A_579 : vector<50x300xf32> to vector<50x300xbf16>
    %dot_general3A_581 = arith.constant dense<0.000000e+00> : vector<50x768xf32>
    %dot_general3A_582 = tpu.matmul %convert_element_type3A_580, %convert_element_type3A, %dot_general3A_581 {dimension_numbers = #tpu.dot_dimension_numbers<[1], [0], [0], [1], [0, 0, 1, 1], [], []>, transpose_lhs_hint = false} : vector<50x300xbf16>, vector<300x768xbf16>, vector<50x768xf32> -> vector<50x768xf32>
    %get3A_583 = arith.constant 0 : index
    %get3A_584 = arith.constant 0 : index
    %get3A_585 = vector.load %arg3[%get3A_583, %get3A_584] : memref<1x768xf32, #tpu.memory_space<vmem>>, vector<1x768xf32>
    %add3A_586 = vector.broadcast %get3A_585 : vector<1x768xf32> to vector<50x768xf32>
    %add3A_587 = arith.addf %dot_general3A_582, %add3A_586 : vector<50x768xf32>
    %swap3A_588 = arith.constant 34 : index
    %swap3A_589 = arith.constant 0 : index
    %swap3A_590 = arith.constant 0 : index
    %swap3A_591 = vector.load %arg4[%swap3A_588, %swap3A_589, %swap3A_590] : memref<64x50x768xf32, #tpu.memory_space<vmem>>, vector<1x50x768xf32>
    %swap3A_592 = vector.shape_cast %swap3A_591 : vector<1x50x768xf32> to vector<50x768xf32>
    %swap3A_593 = vector.shape_cast %add3A_587 : vector<50x768xf32> to vector<1x50x768xf32>
    tpu.vector_store %arg4[%swap3A_588, %swap3A_589, %swap3A_590], %swap3A_593 {strides = array<i32>} : memref<64x50x768xf32, #tpu.memory_space<vmem>>, vector<1x50x768xf32>,
    %get3A_594 = arith.constant 1750 : index
    %get3A_595 = arith.constant 0 : index
    %get3A_596 = vector.load %arg1[%get3A_594, %get3A_595] : memref<3200x384xf32, #tpu.memory_space<vmem>>, vector<50x300xf32>
    %convert_element_type3A_597 = arith.truncf %get3A_596 : vector<50x300xf32> to vector<50x300xbf16>
    %dot_general3A_598 = arith.constant dense<0.000000e+00> : vector<50x768xf32>
    %dot_general3A_599 = tpu.matmul %convert_element_type3A_597, %convert_element_type3A, %dot_general3A_598 {dimension_numbers = #tpu.dot_dimension_numbers<[1], [0], [0], [1], [0, 0, 1, 1], [], []>, transpose_lhs_hint = false} : vector<50x300xbf16>, vector<300x768xbf16>, vector<50x768xf32> -> vector<50x768xf32>
    %get3A_600 = arith.constant 0 : index
    %get3A_601 = arith.constant 0 : index
    %get3A_602 = vector.load %arg3[%get3A_600, %get3A_601] : memref<1x768xf32, #tpu.memory_space<vmem>>, vector<1x768xf32>
    %add3A_603 = vector.broadcast %get3A_602 : vector<1x768xf32> to vector<50x768xf32>
    %add3A_604 = arith.addf %dot_general3A_599, %add3A_603 : vector<50x768xf32>
    %swap3A_605 = arith.constant 35 : index
    %swap3A_606 = arith.constant 0 : index
    %swap3A_607 = arith.constant 0 : index
    %swap3A_608 = vector.load %arg4[%swap3A_605, %swap3A_606, %swap3A_607] : memref<64x50x768xf32, #tpu.memory_space<vmem>>, vector<1x50x768xf32>
    %swap3A_609 = vector.shape_cast %swap3A_608 : vector<1x50x768xf32> to vector<50x768xf32>
    %swap3A_610 = vector.shape_cast %add3A_604 : vector<50x768xf32> to vector<1x50x768xf32>
    tpu.vector_store %arg4[%swap3A_605, %swap3A_606, %swap3A_607], %swap3A_610 {strides = array<i32>} : memref<64x50x768xf32, #tpu.memory_space<vmem>>, vector<1x50x768xf32>,
    %get3A_611 = arith.constant 1800 : index
    %get3A_612 = arith.constant 0 : index
    %get3A_613 = vector.load %arg1[%get3A_611, %get3A_612] : memref<3200x384xf32, #tpu.memory_space<vmem>>, vector<50x300xf32>
    %convert_element_type3A_614 = arith.truncf %get3A_613 : vector<50x300xf32> to vector<50x300xbf16>
    %dot_general3A_615 = arith.constant dense<0.000000e+00> : vector<50x768xf32>
    %dot_general3A_616 = tpu.matmul %convert_element_type3A_614, %convert_element_type3A, %dot_general3A_615 {dimension_numbers = #tpu.dot_dimension_numbers<[1], [0], [0], [1], [0, 0, 1, 1], [], []>, transpose_lhs_hint = false} : vector<50x300xbf16>, vector<300x768xbf16>, vector<50x768xf32> -> vector<50x768xf32>
    %get3A_617 = arith.constant 0 : index
    %get3A_618 = arith.constant 0 : index
    %get3A_619 = vector.load %arg3[%get3A_617, %get3A_618] : memref<1x768xf32, #tpu.memory_space<vmem>>, vector<1x768xf32>
    %add3A_620 = vector.broadcast %get3A_619 : vector<1x768xf32> to vector<50x768xf32>
    %add3A_621 = arith.addf %dot_general3A_616, %add3A_620 : vector<50x768xf32>
    %swap3A_622 = arith.constant 36 : index
    %swap3A_623 = arith.constant 0 : index
    %swap3A_624 = arith.constant 0 : index
    %swap3A_625 = vector.load %arg4[%swap3A_622, %swap3A_623, %swap3A_624] : memref<64x50x768xf32, #tpu.memory_space<vmem>>, vector<1x50x768xf32>
    %swap3A_626 = vector.shape_cast %swap3A_625 : vector<1x50x768xf32> to vector<50x768xf32>
    %swap3A_627 = vector.shape_cast %add3A_621 : vector<50x768xf32> to vector<1x50x768xf32>
    tpu.vector_store %arg4[%swap3A_622, %swap3A_623, %swap3A_624], %swap3A_627 {strides = array<i32>} : memref<64x50x768xf32, #tpu.memory_space<vmem>>, vector<1x50x768xf32>,
    %get3A_628 = arith.constant 1850 : index
    %get3A_629 = arith.constant 0 : index
    %get3A_630 = vector.load %arg1[%get3A_628, %get3A_629] : memref<3200x384xf32, #tpu.memory_space<vmem>>, vector<50x300xf32>
    %convert_element_type3A_631 = arith.truncf %get3A_630 : vector<50x300xf32> to vector<50x300xbf16>
    %dot_general3A_632 = arith.constant dense<0.000000e+00> : vector<50x768xf32>
    %dot_general3A_633 = tpu.matmul %convert_element_type3A_631, %convert_element_type3A, %dot_general3A_632 {dimension_numbers = #tpu.dot_dimension_numbers<[1], [0], [0], [1], [0, 0, 1, 1], [], []>, transpose_lhs_hint = false} : vector<50x300xbf16>, vector<300x768xbf16>, vector<50x768xf32> -> vector<50x768xf32>
    %get3A_634 = arith.constant 0 : index
    %get3A_635 = arith.constant 0 : index
    %get3A_636 = vector.load %arg3[%get3A_634, %get3A_635] : memref<1x768xf32, #tpu.memory_space<vmem>>, vector<1x768xf32>
    %add3A_637 = vector.broadcast %get3A_636 : vector<1x768xf32> to vector<50x768xf32>
    %add3A_638 = arith.addf %dot_general3A_633, %add3A_637 : vector<50x768xf32>
    %swap3A_639 = arith.constant 37 : index
    %swap3A_640 = arith.constant 0 : index
    %swap3A_641 = arith.constant 0 : index
    %swap3A_642 = vector.load %arg4[%swap3A_639, %swap3A_640, %swap3A_641] : memref<64x50x768xf32, #tpu.memory_space<vmem>>, vector<1x50x768xf32>
    %swap3A_643 = vector.shape_cast %swap3A_642 : vector<1x50x768xf32> to vector<50x768xf32>
    %swap3A_644 = vector.shape_cast %add3A_638 : vector<50x768xf32> to vector<1x50x768xf32>
    tpu.vector_store %arg4[%swap3A_639, %swap3A_640, %swap3A_641], %swap3A_644 {strides = array<i32>} : memref<64x50x768xf32, #tpu.memory_space<vmem>>, vector<1x50x768xf32>,
    %get3A_645 = arith.constant 1900 : index
    %get3A_646 = arith.constant 0 : index
    %get3A_647 = vector.load %arg1[%get3A_645, %get3A_646] : memref<3200x384xf32, #tpu.memory_space<vmem>>, vector<50x300xf32>
    %convert_element_type3A_648 = arith.truncf %get3A_647 : vector<50x300xf32> to vector<50x300xbf16>
    %dot_general3A_649 = arith.constant dense<0.000000e+00> : vector<50x768xf32>
    %dot_general3A_650 = tpu.matmul %convert_element_type3A_648, %convert_element_type3A, %dot_general3A_649 {dimension_numbers = #tpu.dot_dimension_numbers<[1], [0], [0], [1], [0, 0, 1, 1], [], []>, transpose_lhs_hint = false} : vector<50x300xbf16>, vector<300x768xbf16>, vector<50x768xf32> -> vector<50x768xf32>
    %get3A_651 = arith.constant 0 : index
    %get3A_652 = arith.constant 0 : index
    %get3A_653 = vector.load %arg3[%get3A_651, %get3A_652] : memref<1x768xf32, #tpu.memory_space<vmem>>, vector<1x768xf32>
    %add3A_654 = vector.broadcast %get3A_653 : vector<1x768xf32> to vector<50x768xf32>
    %add3A_655 = arith.addf %dot_general3A_650, %add3A_654 : vector<50x768xf32>
    %swap3A_656 = arith.constant 38 : index
    %swap3A_657 = arith.constant 0 : index
    %swap3A_658 = arith.constant 0 : index
    %swap3A_659 = vector.load %arg4[%swap3A_656, %swap3A_657, %swap3A_658] : memref<64x50x768xf32, #tpu.memory_space<vmem>>, vector<1x50x768xf32>
    %swap3A_660 = vector.shape_cast %swap3A_659 : vector<1x50x768xf32> to vector<50x768xf32>
    %swap3A_661 = vector.shape_cast %add3A_655 : vector<50x768xf32> to vector<1x50x768xf32>
    tpu.vector_store %arg4[%swap3A_656, %swap3A_657, %swap3A_658], %swap3A_661 {strides = array<i32>} : memref<64x50x768xf32, #tpu.memory_space<vmem>>, vector<1x50x768xf32>,
    %get3A_662 = arith.constant 1950 : index
    %get3A_663 = arith.constant 0 : index
    %get3A_664 = vector.load %arg1[%get3A_662, %get3A_663] : memref<3200x384xf32, #tpu.memory_space<vmem>>, vector<50x300xf32>
    %convert_element_type3A_665 = arith.truncf %get3A_664 : vector<50x300xf32> to vector<50x300xbf16>
    %dot_general3A_666 = arith.constant dense<0.000000e+00> : vector<50x768xf32>
    %dot_general3A_667 = tpu.matmul %convert_element_type3A_665, %convert_element_type3A, %dot_general3A_666 {dimension_numbers = #tpu.dot_dimension_numbers<[1], [0], [0], [1], [0, 0, 1, 1], [], []>, transpose_lhs_hint = false} : vector<50x300xbf16>, vector<300x768xbf16>, vector<50x768xf32> -> vector<50x768xf32>
    %get3A_668 = arith.constant 0 : index
    %get3A_669 = arith.constant 0 : index
    %get3A_670 = vector.load %arg3[%get3A_668, %get3A_669] : memref<1x768xf32, #tpu.memory_space<vmem>>, vector<1x768xf32>
    %add3A_671 = vector.broadcast %get3A_670 : vector<1x768xf32> to vector<50x768xf32>
    %add3A_672 = arith.addf %dot_general3A_667, %add3A_671 : vector<50x768xf32>
    %swap3A_673 = arith.constant 39 : index
    %swap3A_674 = arith.constant 0 : index
    %swap3A_675 = arith.constant 0 : index
    %swap3A_676 = vector.load %arg4[%swap3A_673, %swap3A_674, %swap3A_675] : memref<64x50x768xf32, #tpu.memory_space<vmem>>, vector<1x50x768xf32>
    %swap3A_677 = vector.shape_cast %swap3A_676 : vector<1x50x768xf32> to vector<50x768xf32>
    %swap3A_678 = vector.shape_cast %add3A_672 : vector<50x768xf32> to vector<1x50x768xf32>
    tpu.vector_store %arg4[%swap3A_673, %swap3A_674, %swap3A_675], %swap3A_678 {strides = array<i32>} : memref<64x50x768xf32, #tpu.memory_space<vmem>>, vector<1x50x768xf32>,
    %get3A_679 = arith.constant 2000 : index
    %get3A_680 = arith.constant 0 : index
    %get3A_681 = vector.load %arg1[%get3A_679, %get3A_680] : memref<3200x384xf32, #tpu.memory_space<vmem>>, vector<50x300xf32>
    %convert_element_type3A_682 = arith.truncf %get3A_681 : vector<50x300xf32> to vector<50x300xbf16>
    %dot_general3A_683 = arith.constant dense<0.000000e+00> : vector<50x768xf32>
    %dot_general3A_684 = tpu.matmul %convert_element_type3A_682, %convert_element_type3A, %dot_general3A_683 {dimension_numbers = #tpu.dot_dimension_numbers<[1], [0], [0], [1], [0, 0, 1, 1], [], []>, transpose_lhs_hint = false} : vector<50x300xbf16>, vector<300x768xbf16>, vector<50x768xf32> -> vector<50x768xf32>
    %get3A_685 = arith.constant 0 : index
    %get3A_686 = arith.constant 0 : index
    %get3A_687 = vector.load %arg3[%get3A_685, %get3A_686] : memref<1x768xf32, #tpu.memory_space<vmem>>, vector<1x768xf32>
    %add3A_688 = vector.broadcast %get3A_687 : vector<1x768xf32> to vector<50x768xf32>
    %add3A_689 = arith.addf %dot_general3A_684, %add3A_688 : vector<50x768xf32>
    %swap3A_690 = arith.constant 40 : index
    %swap3A_691 = arith.constant 0 : index
    %swap3A_692 = arith.constant 0 : index
    %swap3A_693 = vector.load %arg4[%swap3A_690, %swap3A_691, %swap3A_692] : memref<64x50x768xf32, #tpu.memory_space<vmem>>, vector<1x50x768xf32>
    %swap3A_694 = vector.shape_cast %swap3A_693 : vector<1x50x768xf32> to vector<50x768xf32>
    %swap3A_695 = vector.shape_cast %add3A_689 : vector<50x768xf32> to vector<1x50x768xf32>
    tpu.vector_store %arg4[%swap3A_690, %swap3A_691, %swap3A_692], %swap3A_695 {strides = array<i32>} : memref<64x50x768xf32, #tpu.memory_space<vmem>>, vector<1x50x768xf32>,
    %get3A_696 = arith.constant 2050 : index
    %get3A_697 = arith.constant 0 : index
    %get3A_698 = vector.load %arg1[%get3A_696, %get3A_697] : memref<3200x384xf32, #tpu.memory_space<vmem>>, vector<50x300xf32>
    %convert_element_type3A_699 = arith.truncf %get3A_698 : vector<50x300xf32> to vector<50x300xbf16>
    %dot_general3A_700 = arith.constant dense<0.000000e+00> : vector<50x768xf32>
    %dot_general3A_701 = tpu.matmul %convert_element_type3A_699, %convert_element_type3A, %dot_general3A_700 {dimension_numbers = #tpu.dot_dimension_numbers<[1], [0], [0], [1], [0, 0, 1, 1], [], []>, transpose_lhs_hint = false} : vector<50x300xbf16>, vector<300x768xbf16>, vector<50x768xf32> -> vector<50x768xf32>
    %get3A_702 = arith.constant 0 : index
    %get3A_703 = arith.constant 0 : index
    %get3A_704 = vector.load %arg3[%get3A_702, %get3A_703] : memref<1x768xf32, #tpu.memory_space<vmem>>, vector<1x768xf32>
    %add3A_705 = vector.broadcast %get3A_704 : vector<1x768xf32> to vector<50x768xf32>
    %add3A_706 = arith.addf %dot_general3A_701, %add3A_705 : vector<50x768xf32>
    %swap3A_707 = arith.constant 41 : index
    %swap3A_708 = arith.constant 0 : index
    %swap3A_709 = arith.constant 0 : index
    %swap3A_710 = vector.load %arg4[%swap3A_707, %swap3A_708, %swap3A_709] : memref<64x50x768xf32, #tpu.memory_space<vmem>>, vector<1x50x768xf32>
    %swap3A_711 = vector.shape_cast %swap3A_710 : vector<1x50x768xf32> to vector<50x768xf32>
    %swap3A_712 = vector.shape_cast %add3A_706 : vector<50x768xf32> to vector<1x50x768xf32>
    tpu.vector_store %arg4[%swap3A_707, %swap3A_708, %swap3A_709], %swap3A_712 {strides = array<i32>} : memref<64x50x768xf32, #tpu.memory_space<vmem>>, vector<1x50x768xf32>,
    %get3A_713 = arith.constant 2100 : index
    %get3A_714 = arith.constant 0 : index
    %get3A_715 = vector.load %arg1[%get3A_713, %get3A_714] : memref<3200x384xf32, #tpu.memory_space<vmem>>, vector<50x300xf32>
    %convert_element_type3A_716 = arith.truncf %get3A_715 : vector<50x300xf32> to vector<50x300xbf16>
    %dot_general3A_717 = arith.constant dense<0.000000e+00> : vector<50x768xf32>
    %dot_general3A_718 = tpu.matmul %convert_element_type3A_716, %convert_element_type3A, %dot_general3A_717 {dimension_numbers = #tpu.dot_dimension_numbers<[1], [0], [0], [1], [0, 0, 1, 1], [], []>, transpose_lhs_hint = false} : vector<50x300xbf16>, vector<300x768xbf16>, vector<50x768xf32> -> vector<50x768xf32>
    %get3A_719 = arith.constant 0 : index
    %get3A_720 = arith.constant 0 : index
    %get3A_721 = vector.load %arg3[%get3A_719, %get3A_720] : memref<1x768xf32, #tpu.memory_space<vmem>>, vector<1x768xf32>
    %add3A_722 = vector.broadcast %get3A_721 : vector<1x768xf32> to vector<50x768xf32>
    %add3A_723 = arith.addf %dot_general3A_718, %add3A_722 : vector<50x768xf32>
    %swap3A_724 = arith.constant 42 : index
    %swap3A_725 = arith.constant 0 : index
    %swap3A_726 = arith.constant 0 : index
    %swap3A_727 = vector.load %arg4[%swap3A_724, %swap3A_725, %swap3A_726] : memref<64x50x768xf32, #tpu.memory_space<vmem>>, vector<1x50x768xf32>
    %swap3A_728 = vector.shape_cast %swap3A_727 : vector<1x50x768xf32> to vector<50x768xf32>
    %swap3A_729 = vector.shape_cast %add3A_723 : vector<50x768xf32> to vector<1x50x768xf32>
    tpu.vector_store %arg4[%swap3A_724, %swap3A_725, %swap3A_726], %swap3A_729 {strides = array<i32>} : memref<64x50x768xf32, #tpu.memory_space<vmem>>, vector<1x50x768xf32>,
    %get3A_730 = arith.constant 2150 : index
    %get3A_731 = arith.constant 0 : index
    %get3A_732 = vector.load %arg1[%get3A_730, %get3A_731] : memref<3200x384xf32, #tpu.memory_space<vmem>>, vector<50x300xf32>
    %convert_element_type3A_733 = arith.truncf %get3A_732 : vector<50x300xf32> to vector<50x300xbf16>
    %dot_general3A_734 = arith.constant dense<0.000000e+00> : vector<50x768xf32>
    %dot_general3A_735 = tpu.matmul %convert_element_type3A_733, %convert_element_type3A, %dot_general3A_734 {dimension_numbers = #tpu.dot_dimension_numbers<[1], [0], [0], [1], [0, 0, 1, 1], [], []>, transpose_lhs_hint = false} : vector<50x300xbf16>, vector<300x768xbf16>, vector<50x768xf32> -> vector<50x768xf32>
    %get3A_736 = arith.constant 0 : index
    %get3A_737 = arith.constant 0 : index
    %get3A_738 = vector.load %arg3[%get3A_736, %get3A_737] : memref<1x768xf32, #tpu.memory_space<vmem>>, vector<1x768xf32>
    %add3A_739 = vector.broadcast %get3A_738 : vector<1x768xf32> to vector<50x768xf32>
    %add3A_740 = arith.addf %dot_general3A_735, %add3A_739 : vector<50x768xf32>
    %swap3A_741 = arith.constant 43 : index
    %swap3A_742 = arith.constant 0 : index
    %swap3A_743 = arith.constant 0 : index
    %swap3A_744 = vector.load %arg4[%swap3A_741, %swap3A_742, %swap3A_743] : memref<64x50x768xf32, #tpu.memory_space<vmem>>, vector<1x50x768xf32>
    %swap3A_745 = vector.shape_cast %swap3A_744 : vector<1x50x768xf32> to vector<50x768xf32>
    %swap3A_746 = vector.shape_cast %add3A_740 : vector<50x768xf32> to vector<1x50x768xf32>
    tpu.vector_store %arg4[%swap3A_741, %swap3A_742, %swap3A_743], %swap3A_746 {strides = array<i32>} : memref<64x50x768xf32, #tpu.memory_space<vmem>>, vector<1x50x768xf32>,
    %get3A_747 = arith.constant 2200 : index
    %get3A_748 = arith.constant 0 : index
    %get3A_749 = vector.load %arg1[%get3A_747, %get3A_748] : memref<3200x384xf32, #tpu.memory_space<vmem>>, vector<50x300xf32>
    %convert_element_type3A_750 = arith.truncf %get3A_749 : vector<50x300xf32> to vector<50x300xbf16>
    %dot_general3A_751 = arith.constant dense<0.000000e+00> : vector<50x768xf32>
    %dot_general3A_752 = tpu.matmul %convert_element_type3A_750, %convert_element_type3A, %dot_general3A_751 {dimension_numbers = #tpu.dot_dimension_numbers<[1], [0], [0], [1], [0, 0, 1, 1], [], []>, transpose_lhs_hint = false} : vector<50x300xbf16>, vector<300x768xbf16>, vector<50x768xf32> -> vector<50x768xf32>
    %get3A_753 = arith.constant 0 : index
    %get3A_754 = arith.constant 0 : index
    %get3A_755 = vector.load %arg3[%get3A_753, %get3A_754] : memref<1x768xf32, #tpu.memory_space<vmem>>, vector<1x768xf32>
    %add3A_756 = vector.broadcast %get3A_755 : vector<1x768xf32> to vector<50x768xf32>
    %add3A_757 = arith.addf %dot_general3A_752, %add3A_756 : vector<50x768xf32>
    %swap3A_758 = arith.constant 44 : index
    %swap3A_759 = arith.constant 0 : index
    %swap3A_760 = arith.constant 0 : index
    %swap3A_761 = vector.load %arg4[%swap3A_758, %swap3A_759, %swap3A_760] : memref<64x50x768xf32, #tpu.memory_space<vmem>>, vector<1x50x768xf32>
    %swap3A_762 = vector.shape_cast %swap3A_761 : vector<1x50x768xf32> to vector<50x768xf32>
    %swap3A_763 = vector.shape_cast %add3A_757 : vector<50x768xf32> to vector<1x50x768xf32>
    tpu.vector_store %arg4[%swap3A_758, %swap3A_759, %swap3A_760], %swap3A_763 {strides = array<i32>} : memref<64x50x768xf32, #tpu.memory_space<vmem>>, vector<1x50x768xf32>,
    %get3A_764 = arith.constant 2250 : index
    %get3A_765 = arith.constant 0 : index
    %get3A_766 = vector.load %arg1[%get3A_764, %get3A_765] : memref<3200x384xf32, #tpu.memory_space<vmem>>, vector<50x300xf32>
    %convert_element_type3A_767 = arith.truncf %get3A_766 : vector<50x300xf32> to vector<50x300xbf16>
    %dot_general3A_768 = arith.constant dense<0.000000e+00> : vector<50x768xf32>
    %dot_general3A_769 = tpu.matmul %convert_element_type3A_767, %convert_element_type3A, %dot_general3A_768 {dimension_numbers = #tpu.dot_dimension_numbers<[1], [0], [0], [1], [0, 0, 1, 1], [], []>, transpose_lhs_hint = false} : vector<50x300xbf16>, vector<300x768xbf16>, vector<50x768xf32> -> vector<50x768xf32>
    %get3A_770 = arith.constant 0 : index
    %get3A_771 = arith.constant 0 : index
    %get3A_772 = vector.load %arg3[%get3A_770, %get3A_771] : memref<1x768xf32, #tpu.memory_space<vmem>>, vector<1x768xf32>
    %add3A_773 = vector.broadcast %get3A_772 : vector<1x768xf32> to vector<50x768xf32>
    %add3A_774 = arith.addf %dot_general3A_769, %add3A_773 : vector<50x768xf32>
    %swap3A_775 = arith.constant 45 : index
    %swap3A_776 = arith.constant 0 : index
    %swap3A_777 = arith.constant 0 : index
    %swap3A_778 = vector.load %arg4[%swap3A_775, %swap3A_776, %swap3A_777] : memref<64x50x768xf32, #tpu.memory_space<vmem>>, vector<1x50x768xf32>
    %swap3A_779 = vector.shape_cast %swap3A_778 : vector<1x50x768xf32> to vector<50x768xf32>
    %swap3A_780 = vector.shape_cast %add3A_774 : vector<50x768xf32> to vector<1x50x768xf32>
    tpu.vector_store %arg4[%swap3A_775, %swap3A_776, %swap3A_777], %swap3A_780 {strides = array<i32>} : memref<64x50x768xf32, #tpu.memory_space<vmem>>, vector<1x50x768xf32>,
    %get3A_781 = arith.constant 2300 : index
    %get3A_782 = arith.constant 0 : index
    %get3A_783 = vector.load %arg1[%get3A_781, %get3A_782] : memref<3200x384xf32, #tpu.memory_space<vmem>>, vector<50x300xf32>
    %convert_element_type3A_784 = arith.truncf %get3A_783 : vector<50x300xf32> to vector<50x300xbf16>
    %dot_general3A_785 = arith.constant dense<0.000000e+00> : vector<50x768xf32>
    %dot_general3A_786 = tpu.matmul %convert_element_type3A_784, %convert_element_type3A, %dot_general3A_785 {dimension_numbers = #tpu.dot_dimension_numbers<[1], [0], [0], [1], [0, 0, 1, 1], [], []>, transpose_lhs_hint = false} : vector<50x300xbf16>, vector<300x768xbf16>, vector<50x768xf32> -> vector<50x768xf32>
    %get3A_787 = arith.constant 0 : index
    %get3A_788 = arith.constant 0 : index
    %get3A_789 = vector.load %arg3[%get3A_787, %get3A_788] : memref<1x768xf32, #tpu.memory_space<vmem>>, vector<1x768xf32>
    %add3A_790 = vector.broadcast %get3A_789 : vector<1x768xf32> to vector<50x768xf32>
    %add3A_791 = arith.addf %dot_general3A_786, %add3A_790 : vector<50x768xf32>
    %swap3A_792 = arith.constant 46 : index
    %swap3A_793 = arith.constant 0 : index
    %swap3A_794 = arith.constant 0 : index
    %swap3A_795 = vector.load %arg4[%swap3A_792, %swap3A_793, %swap3A_794] : memref<64x50x768xf32, #tpu.memory_space<vmem>>, vector<1x50x768xf32>
    %swap3A_796 = vector.shape_cast %swap3A_795 : vector<1x50x768xf32> to vector<50x768xf32>
    %swap3A_797 = vector.shape_cast %add3A_791 : vector<50x768xf32> to vector<1x50x768xf32>
    tpu.vector_store %arg4[%swap3A_792, %swap3A_793, %swap3A_794], %swap3A_797 {strides = array<i32>} : memref<64x50x768xf32, #tpu.memory_space<vmem>>, vector<1x50x768xf32>,
    %get3A_798 = arith.constant 2350 : index
    %get3A_799 = arith.constant 0 : index
    %get3A_800 = vector.load %arg1[%get3A_798, %get3A_799] : memref<3200x384xf32, #tpu.memory_space<vmem>>, vector<50x300xf32>
    %convert_element_type3A_801 = arith.truncf %get3A_800 : vector<50x300xf32> to vector<50x300xbf16>
    %dot_general3A_802 = arith.constant dense<0.000000e+00> : vector<50x768xf32>
    %dot_general3A_803 = tpu.matmul %convert_element_type3A_801, %convert_element_type3A, %dot_general3A_802 {dimension_numbers = #tpu.dot_dimension_numbers<[1], [0], [0], [1], [0, 0, 1, 1], [], []>, transpose_lhs_hint = false} : vector<50x300xbf16>, vector<300x768xbf16>, vector<50x768xf32> -> vector<50x768xf32>
    %get3A_804 = arith.constant 0 : index
    %get3A_805 = arith.constant 0 : index
    %get3A_806 = vector.load %arg3[%get3A_804, %get3A_805] : memref<1x768xf32, #tpu.memory_space<vmem>>, vector<1x768xf32>
    %add3A_807 = vector.broadcast %get3A_806 : vector<1x768xf32> to vector<50x768xf32>
    %add3A_808 = arith.addf %dot_general3A_803, %add3A_807 : vector<50x768xf32>
    %swap3A_809 = arith.constant 47 : index
    %swap3A_810 = arith.constant 0 : index
    %swap3A_811 = arith.constant 0 : index
    %swap3A_812 = vector.load %arg4[%swap3A_809, %swap3A_810, %swap3A_811] : memref<64x50x768xf32, #tpu.memory_space<vmem>>, vector<1x50x768xf32>
    %swap3A_813 = vector.shape_cast %swap3A_812 : vector<1x50x768xf32> to vector<50x768xf32>
    %swap3A_814 = vector.shape_cast %add3A_808 : vector<50x768xf32> to vector<1x50x768xf32>
    tpu.vector_store %arg4[%swap3A_809, %swap3A_810, %swap3A_811], %swap3A_814 {strides = array<i32>} : memref<64x50x768xf32, #tpu.memory_space<vmem>>, vector<1x50x768xf32>,
    %get3A_815 = arith.constant 2400 : index
    %get3A_816 = arith.constant 0 : index
    %get3A_817 = vector.load %arg1[%get3A_815, %get3A_816] : memref<3200x384xf32, #tpu.memory_space<vmem>>, vector<50x300xf32>
    %convert_element_type3A_818 = arith.truncf %get3A_817 : vector<50x300xf32> to vector<50x300xbf16>
    %dot_general3A_819 = arith.constant dense<0.000000e+00> : vector<50x768xf32>
    %dot_general3A_820 = tpu.matmul %convert_element_type3A_818, %convert_element_type3A, %dot_general3A_819 {dimension_numbers = #tpu.dot_dimension_numbers<[1], [0], [0], [1], [0, 0, 1, 1], [], []>, transpose_lhs_hint = false} : vector<50x300xbf16>, vector<300x768xbf16>, vector<50x768xf32> -> vector<50x768xf32>
    %get3A_821 = arith.constant 0 : index
    %get3A_822 = arith.constant 0 : index
    %get3A_823 = vector.load %arg3[%get3A_821, %get3A_822] : memref<1x768xf32, #tpu.memory_space<vmem>>, vector<1x768xf32>
    %add3A_824 = vector.broadcast %get3A_823 : vector<1x768xf32> to vector<50x768xf32>
    %add3A_825 = arith.addf %dot_general3A_820, %add3A_824 : vector<50x768xf32>
    %swap3A_826 = arith.constant 48 : index
    %swap3A_827 = arith.constant 0 : index
    %swap3A_828 = arith.constant 0 : index
    %swap3A_829 = vector.load %arg4[%swap3A_826, %swap3A_827, %swap3A_828] : memref<64x50x768xf32, #tpu.memory_space<vmem>>, vector<1x50x768xf32>
    %swap3A_830 = vector.shape_cast %swap3A_829 : vector<1x50x768xf32> to vector<50x768xf32>
    %swap3A_831 = vector.shape_cast %add3A_825 : vector<50x768xf32> to vector<1x50x768xf32>
    tpu.vector_store %arg4[%swap3A_826, %swap3A_827, %swap3A_828], %swap3A_831 {strides = array<i32>} : memref<64x50x768xf32, #tpu.memory_space<vmem>>, vector<1x50x768xf32>,
    %get3A_832 = arith.constant 2450 : index
    %get3A_833 = arith.constant 0 : index
    %get3A_834 = vector.load %arg1[%get3A_832, %get3A_833] : memref<3200x384xf32, #tpu.memory_space<vmem>>, vector<50x300xf32>
    %convert_element_type3A_835 = arith.truncf %get3A_834 : vector<50x300xf32> to vector<50x300xbf16>
    %dot_general3A_836 = arith.constant dense<0.000000e+00> : vector<50x768xf32>
    %dot_general3A_837 = tpu.matmul %convert_element_type3A_835, %convert_element_type3A, %dot_general3A_836 {dimension_numbers = #tpu.dot_dimension_numbers<[1], [0], [0], [1], [0, 0, 1, 1], [], []>, transpose_lhs_hint = false} : vector<50x300xbf16>, vector<300x768xbf16>, vector<50x768xf32> -> vector<50x768xf32>
    %get3A_838 = arith.constant 0 : index
    %get3A_839 = arith.constant 0 : index
    %get3A_840 = vector.load %arg3[%get3A_838, %get3A_839] : memref<1x768xf32, #tpu.memory_space<vmem>>, vector<1x768xf32>
    %add3A_841 = vector.broadcast %get3A_840 : vector<1x768xf32> to vector<50x768xf32>
    %add3A_842 = arith.addf %dot_general3A_837, %add3A_841 : vector<50x768xf32>
    %swap3A_843 = arith.constant 49 : index
    %swap3A_844 = arith.constant 0 : index
    %swap3A_845 = arith.constant 0 : index
    %swap3A_846 = vector.load %arg4[%swap3A_843, %swap3A_844, %swap3A_845] : memref<64x50x768xf32, #tpu.memory_space<vmem>>, vector<1x50x768xf32>
    %swap3A_847 = vector.shape_cast %swap3A_846 : vector<1x50x768xf32> to vector<50x768xf32>
    %swap3A_848 = vector.shape_cast %add3A_842 : vector<50x768xf32> to vector<1x50x768xf32>
    tpu.vector_store %arg4[%swap3A_843, %swap3A_844, %swap3A_845], %swap3A_848 {strides = array<i32>} : memref<64x50x768xf32, #tpu.memory_space<vmem>>, vector<1x50x768xf32>,
    %get3A_849 = arith.constant 2500 : index
    %get3A_850 = arith.constant 0 : index
    %get3A_851 = vector.load %arg1[%get3A_849, %get3A_850] : memref<3200x384xf32, #tpu.memory_space<vmem>>, vector<50x300xf32>
    %convert_element_type3A_852 = arith.truncf %get3A_851 : vector<50x300xf32> to vector<50x300xbf16>
    %dot_general3A_853 = arith.constant dense<0.000000e+00> : vector<50x768xf32>
    %dot_general3A_854 = tpu.matmul %convert_element_type3A_852, %convert_element_type3A, %dot_general3A_853 {dimension_numbers = #tpu.dot_dimension_numbers<[1], [0], [0], [1], [0, 0, 1, 1], [], []>, transpose_lhs_hint = false} : vector<50x300xbf16>, vector<300x768xbf16>, vector<50x768xf32> -> vector<50x768xf32>
    %get3A_855 = arith.constant 0 : index
    %get3A_856 = arith.constant 0 : index
    %get3A_857 = vector.load %arg3[%get3A_855, %get3A_856] : memref<1x768xf32, #tpu.memory_space<vmem>>, vector<1x768xf32>
    %add3A_858 = vector.broadcast %get3A_857 : vector<1x768xf32> to vector<50x768xf32>
    %add3A_859 = arith.addf %dot_general3A_854, %add3A_858 : vector<50x768xf32>
    %swap3A_860 = arith.constant 50 : index
    %swap3A_861 = arith.constant 0 : index
    %swap3A_862 = arith.constant 0 : index
    %swap3A_863 = vector.load %arg4[%swap3A_860, %swap3A_861, %swap3A_862] : memref<64x50x768xf32, #tpu.memory_space<vmem>>, vector<1x50x768xf32>
    %swap3A_864 = vector.shape_cast %swap3A_863 : vector<1x50x768xf32> to vector<50x768xf32>
    %swap3A_865 = vector.shape_cast %add3A_859 : vector<50x768xf32> to vector<1x50x768xf32>
    tpu.vector_store %arg4[%swap3A_860, %swap3A_861, %swap3A_862], %swap3A_865 {strides = array<i32>} : memref<64x50x768xf32, #tpu.memory_space<vmem>>, vector<1x50x768xf32>,
    %get3A_866 = arith.constant 2550 : index
    %get3A_867 = arith.constant 0 : index
    %get3A_868 = vector.load %arg1[%get3A_866, %get3A_867] : memref<3200x384xf32, #tpu.memory_space<vmem>>, vector<50x300xf32>
    %convert_element_type3A_869 = arith.truncf %get3A_868 : vector<50x300xf32> to vector<50x300xbf16>
    %dot_general3A_870 = arith.constant dense<0.000000e+00> : vector<50x768xf32>
    %dot_general3A_871 = tpu.matmul %convert_element_type3A_869, %convert_element_type3A, %dot_general3A_870 {dimension_numbers = #tpu.dot_dimension_numbers<[1], [0], [0], [1], [0, 0, 1, 1], [], []>, transpose_lhs_hint = false} : vector<50x300xbf16>, vector<300x768xbf16>, vector<50x768xf32> -> vector<50x768xf32>
    %get3A_872 = arith.constant 0 : index
    %get3A_873 = arith.constant 0 : index
    %get3A_874 = vector.load %arg3[%get3A_872, %get3A_873] : memref<1x768xf32, #tpu.memory_space<vmem>>, vector<1x768xf32>
    %add3A_875 = vector.broadcast %get3A_874 : vector<1x768xf32> to vector<50x768xf32>
    %add3A_876 = arith.addf %dot_general3A_871, %add3A_875 : vector<50x768xf32>
    %swap3A_877 = arith.constant 51 : index
    %swap3A_878 = arith.constant 0 : index
    %swap3A_879 = arith.constant 0 : index
    %swap3A_880 = vector.load %arg4[%swap3A_877, %swap3A_878, %swap3A_879] : memref<64x50x768xf32, #tpu.memory_space<vmem>>, vector<1x50x768xf32>
    %swap3A_881 = vector.shape_cast %swap3A_880 : vector<1x50x768xf32> to vector<50x768xf32>
    %swap3A_882 = vector.shape_cast %add3A_876 : vector<50x768xf32> to vector<1x50x768xf32>
    tpu.vector_store %arg4[%swap3A_877, %swap3A_878, %swap3A_879], %swap3A_882 {strides = array<i32>} : memref<64x50x768xf32, #tpu.memory_space<vmem>>, vector<1x50x768xf32>,
    %get3A_883 = arith.constant 2600 : index
    %get3A_884 = arith.constant 0 : index
    %get3A_885 = vector.load %arg1[%get3A_883, %get3A_884] : memref<3200x384xf32, #tpu.memory_space<vmem>>, vector<50x300xf32>
    %convert_element_type3A_886 = arith.truncf %get3A_885 : vector<50x300xf32> to vector<50x300xbf16>
    %dot_general3A_887 = arith.constant dense<0.000000e+00> : vector<50x768xf32>
    %dot_general3A_888 = tpu.matmul %convert_element_type3A_886, %convert_element_type3A, %dot_general3A_887 {dimension_numbers = #tpu.dot_dimension_numbers<[1], [0], [0], [1], [0, 0, 1, 1], [], []>, transpose_lhs_hint = false} : vector<50x300xbf16>, vector<300x768xbf16>, vector<50x768xf32> -> vector<50x768xf32>
    %get3A_889 = arith.constant 0 : index
    %get3A_890 = arith.constant 0 : index
    %get3A_891 = vector.load %arg3[%get3A_889, %get3A_890] : memref<1x768xf32, #tpu.memory_space<vmem>>, vector<1x768xf32>
    %add3A_892 = vector.broadcast %get3A_891 : vector<1x768xf32> to vector<50x768xf32>
    %add3A_893 = arith.addf %dot_general3A_888, %add3A_892 : vector<50x768xf32>
    %swap3A_894 = arith.constant 52 : index
    %swap3A_895 = arith.constant 0 : index
    %swap3A_896 = arith.constant 0 : index
    %swap3A_897 = vector.load %arg4[%swap3A_894, %swap3A_895, %swap3A_896] : memref<64x50x768xf32, #tpu.memory_space<vmem>>, vector<1x50x768xf32>
    %swap3A_898 = vector.shape_cast %swap3A_897 : vector<1x50x768xf32> to vector<50x768xf32>
    %swap3A_899 = vector.shape_cast %add3A_893 : vector<50x768xf32> to vector<1x50x768xf32>
    tpu.vector_store %arg4[%swap3A_894, %swap3A_895, %swap3A_896], %swap3A_899 {strides = array<i32>} : memref<64x50x768xf32, #tpu.memory_space<vmem>>, vector<1x50x768xf32>,
    %get3A_900 = arith.constant 2650 : index
    %get3A_901 = arith.constant 0 : index
    %get3A_902 = vector.load %arg1[%get3A_900, %get3A_901] : memref<3200x384xf32, #tpu.memory_space<vmem>>, vector<50x300xf32>
    %convert_element_type3A_903 = arith.truncf %get3A_902 : vector<50x300xf32> to vector<50x300xbf16>
    %dot_general3A_904 = arith.constant dense<0.000000e+00> : vector<50x768xf32>
    %dot_general3A_905 = tpu.matmul %convert_element_type3A_903, %convert_element_type3A, %dot_general3A_904 {dimension_numbers = #tpu.dot_dimension_numbers<[1], [0], [0], [1], [0, 0, 1, 1], [], []>, transpose_lhs_hint = false} : vector<50x300xbf16>, vector<300x768xbf16>, vector<50x768xf32> -> vector<50x768xf32>
    %get3A_906 = arith.constant 0 : index
    %get3A_907 = arith.constant 0 : index
    %get3A_908 = vector.load %arg3[%get3A_906, %get3A_907] : memref<1x768xf32, #tpu.memory_space<vmem>>, vector<1x768xf32>
    %add3A_909 = vector.broadcast %get3A_908 : vector<1x768xf32> to vector<50x768xf32>
    %add3A_910 = arith.addf %dot_general3A_905, %add3A_909 : vector<50x768xf32>
    %swap3A_911 = arith.constant 53 : index
    %swap3A_912 = arith.constant 0 : index
    %swap3A_913 = arith.constant 0 : index
    %swap3A_914 = vector.load %arg4[%swap3A_911, %swap3A_912, %swap3A_913] : memref<64x50x768xf32, #tpu.memory_space<vmem>>, vector<1x50x768xf32>
    %swap3A_915 = vector.shape_cast %swap3A_914 : vector<1x50x768xf32> to vector<50x768xf32>
    %swap3A_916 = vector.shape_cast %add3A_910 : vector<50x768xf32> to vector<1x50x768xf32>
    tpu.vector_store %arg4[%swap3A_911, %swap3A_912, %swap3A_913], %swap3A_916 {strides = array<i32>} : memref<64x50x768xf32, #tpu.memory_space<vmem>>, vector<1x50x768xf32>,
    %get3A_917 = arith.constant 2700 : index
    %get3A_918 = arith.constant 0 : index
    %get3A_919 = vector.load %arg1[%get3A_917, %get3A_918] : memref<3200x384xf32, #tpu.memory_space<vmem>>, vector<50x300xf32>
    %convert_element_type3A_920 = arith.truncf %get3A_919 : vector<50x300xf32> to vector<50x300xbf16>
    %dot_general3A_921 = arith.constant dense<0.000000e+00> : vector<50x768xf32>
    %dot_general3A_922 = tpu.matmul %convert_element_type3A_920, %convert_element_type3A, %dot_general3A_921 {dimension_numbers = #tpu.dot_dimension_numbers<[1], [0], [0], [1], [0, 0, 1, 1], [], []>, transpose_lhs_hint = false} : vector<50x300xbf16>, vector<300x768xbf16>, vector<50x768xf32> -> vector<50x768xf32>
    %get3A_923 = arith.constant 0 : index
    %get3A_924 = arith.constant 0 : index
    %get3A_925 = vector.load %arg3[%get3A_923, %get3A_924] : memref<1x768xf32, #tpu.memory_space<vmem>>, vector<1x768xf32>
    %add3A_926 = vector.broadcast %get3A_925 : vector<1x768xf32> to vector<50x768xf32>
    %add3A_927 = arith.addf %dot_general3A_922, %add3A_926 : vector<50x768xf32>
    %swap3A_928 = arith.constant 54 : index
    %swap3A_929 = arith.constant 0 : index
    %swap3A_930 = arith.constant 0 : index
    %swap3A_931 = vector.load %arg4[%swap3A_928, %swap3A_929, %swap3A_930] : memref<64x50x768xf32, #tpu.memory_space<vmem>>, vector<1x50x768xf32>
    %swap3A_932 = vector.shape_cast %swap3A_931 : vector<1x50x768xf32> to vector<50x768xf32>
    %swap3A_933 = vector.shape_cast %add3A_927 : vector<50x768xf32> to vector<1x50x768xf32>
    tpu.vector_store %arg4[%swap3A_928, %swap3A_929, %swap3A_930], %swap3A_933 {strides = array<i32>} : memref<64x50x768xf32, #tpu.memory_space<vmem>>, vector<1x50x768xf32>,
    %get3A_934 = arith.constant 2750 : index
    %get3A_935 = arith.constant 0 : index
    %get3A_936 = vector.load %arg1[%get3A_934, %get3A_935] : memref<3200x384xf32, #tpu.memory_space<vmem>>, vector<50x300xf32>
    %convert_element_type3A_937 = arith.truncf %get3A_936 : vector<50x300xf32> to vector<50x300xbf16>
    %dot_general3A_938 = arith.constant dense<0.000000e+00> : vector<50x768xf32>
    %dot_general3A_939 = tpu.matmul %convert_element_type3A_937, %convert_element_type3A, %dot_general3A_938 {dimension_numbers = #tpu.dot_dimension_numbers<[1], [0], [0], [1], [0, 0, 1, 1], [], []>, transpose_lhs_hint = false} : vector<50x300xbf16>, vector<300x768xbf16>, vector<50x768xf32> -> vector<50x768xf32>
    %get3A_940 = arith.constant 0 : index
    %get3A_941 = arith.constant 0 : index
    %get3A_942 = vector.load %arg3[%get3A_940, %get3A_941] : memref<1x768xf32, #tpu.memory_space<vmem>>, vector<1x768xf32>
    %add3A_943 = vector.broadcast %get3A_942 : vector<1x768xf32> to vector<50x768xf32>
    %add3A_944 = arith.addf %dot_general3A_939, %add3A_943 : vector<50x768xf32>
    %swap3A_945 = arith.constant 55 : index
    %swap3A_946 = arith.constant 0 : index
    %swap3A_947 = arith.constant 0 : index
    %swap3A_948 = vector.load %arg4[%swap3A_945, %swap3A_946, %swap3A_947] : memref<64x50x768xf32, #tpu.memory_space<vmem>>, vector<1x50x768xf32>
    %swap3A_949 = vector.shape_cast %swap3A_948 : vector<1x50x768xf32> to vector<50x768xf32>
    %swap3A_950 = vector.shape_cast %add3A_944 : vector<50x768xf32> to vector<1x50x768xf32>
    tpu.vector_store %arg4[%swap3A_945, %swap3A_946, %swap3A_947], %swap3A_950 {strides = array<i32>} : memref<64x50x768xf32, #tpu.memory_space<vmem>>, vector<1x50x768xf32>,
    %get3A_951 = arith.constant 2800 : index
    %get3A_952 = arith.constant 0 : index
    %get3A_953 = vector.load %arg1[%get3A_951, %get3A_952] : memref<3200x384xf32, #tpu.memory_space<vmem>>, vector<50x300xf32>
    %convert_element_type3A_954 = arith.truncf %get3A_953 : vector<50x300xf32> to vector<50x300xbf16>
    %dot_general3A_955 = arith.constant dense<0.000000e+00> : vector<50x768xf32>
    %dot_general3A_956 = tpu.matmul %convert_element_type3A_954, %convert_element_type3A, %dot_general3A_955 {dimension_numbers = #tpu.dot_dimension_numbers<[1], [0], [0], [1], [0, 0, 1, 1], [], []>, transpose_lhs_hint = false} : vector<50x300xbf16>, vector<300x768xbf16>, vector<50x768xf32> -> vector<50x768xf32>
    %get3A_957 = arith.constant 0 : index
    %get3A_958 = arith.constant 0 : index
    %get3A_959 = vector.load %arg3[%get3A_957, %get3A_958] : memref<1x768xf32, #tpu.memory_space<vmem>>, vector<1x768xf32>
    %add3A_960 = vector.broadcast %get3A_959 : vector<1x768xf32> to vector<50x768xf32>
    %add3A_961 = arith.addf %dot_general3A_956, %add3A_960 : vector<50x768xf32>
    %swap3A_962 = arith.constant 56 : index
    %swap3A_963 = arith.constant 0 : index
    %swap3A_964 = arith.constant 0 : index
    %swap3A_965 = vector.load %arg4[%swap3A_962, %swap3A_963, %swap3A_964] : memref<64x50x768xf32, #tpu.memory_space<vmem>>, vector<1x50x768xf32>
    %swap3A_966 = vector.shape_cast %swap3A_965 : vector<1x50x768xf32> to vector<50x768xf32>
    %swap3A_967 = vector.shape_cast %add3A_961 : vector<50x768xf32> to vector<1x50x768xf32>
    tpu.vector_store %arg4[%swap3A_962, %swap3A_963, %swap3A_964], %swap3A_967 {strides = array<i32>} : memref<64x50x768xf32, #tpu.memory_space<vmem>>, vector<1x50x768xf32>,
    %get3A_968 = arith.constant 2850 : index
    %get3A_969 = arith.constant 0 : index
    %get3A_970 = vector.load %arg1[%get3A_968, %get3A_969] : memref<3200x384xf32, #tpu.memory_space<vmem>>, vector<50x300xf32>
    %convert_element_type3A_971 = arith.truncf %get3A_970 : vector<50x300xf32> to vector<50x300xbf16>
    %dot_general3A_972 = arith.constant dense<0.000000e+00> : vector<50x768xf32>
    %dot_general3A_973 = tpu.matmul %convert_element_type3A_971, %convert_element_type3A, %dot_general3A_972 {dimension_numbers = #tpu.dot_dimension_numbers<[1], [0], [0], [1], [0, 0, 1, 1], [], []>, transpose_lhs_hint = false} : vector<50x300xbf16>, vector<300x768xbf16>, vector<50x768xf32> -> vector<50x768xf32>
    %get3A_974 = arith.constant 0 : index
    %get3A_975 = arith.constant 0 : index
    %get3A_976 = vector.load %arg3[%get3A_974, %get3A_975] : memref<1x768xf32, #tpu.memory_space<vmem>>, vector<1x768xf32>
    %add3A_977 = vector.broadcast %get3A_976 : vector<1x768xf32> to vector<50x768xf32>
    %add3A_978 = arith.addf %dot_general3A_973, %add3A_977 : vector<50x768xf32>
    %swap3A_979 = arith.constant 57 : index
    %swap3A_980 = arith.constant 0 : index
    %swap3A_981 = arith.constant 0 : index
    %swap3A_982 = vector.load %arg4[%swap3A_979, %swap3A_980, %swap3A_981] : memref<64x50x768xf32, #tpu.memory_space<vmem>>, vector<1x50x768xf32>
    %swap3A_983 = vector.shape_cast %swap3A_982 : vector<1x50x768xf32> to vector<50x768xf32>
    %swap3A_984 = vector.shape_cast %add3A_978 : vector<50x768xf32> to vector<1x50x768xf32>
    tpu.vector_store %arg4[%swap3A_979, %swap3A_980, %swap3A_981], %swap3A_984 {strides = array<i32>} : memref<64x50x768xf32, #tpu.memory_space<vmem>>, vector<1x50x768xf32>,
    %get3A_985 = arith.constant 2900 : index
    %get3A_986 = arith.constant 0 : index
    %get3A_987 = vector.load %arg1[%get3A_985, %get3A_986] : memref<3200x384xf32, #tpu.memory_space<vmem>>, vector<50x300xf32>
    %convert_element_type3A_988 = arith.truncf %get3A_987 : vector<50x300xf32> to vector<50x300xbf16>
    %dot_general3A_989 = arith.constant dense<0.000000e+00> : vector<50x768xf32>
    %dot_general3A_990 = tpu.matmul %convert_element_type3A_988, %convert_element_type3A, %dot_general3A_989 {dimension_numbers = #tpu.dot_dimension_numbers<[1], [0], [0], [1], [0, 0, 1, 1], [], []>, transpose_lhs_hint = false} : vector<50x300xbf16>, vector<300x768xbf16>, vector<50x768xf32> -> vector<50x768xf32>
    %get3A_991 = arith.constant 0 : index
    %get3A_992 = arith.constant 0 : index
    %get3A_993 = vector.load %arg3[%get3A_991, %get3A_992] : memref<1x768xf32, #tpu.memory_space<vmem>>, vector<1x768xf32>
    %add3A_994 = vector.broadcast %get3A_993 : vector<1x768xf32> to vector<50x768xf32>
    %add3A_995 = arith.addf %dot_general3A_990, %add3A_994 : vector<50x768xf32>
    %swap3A_996 = arith.constant 58 : index
    %swap3A_997 = arith.constant 0 : index
    %swap3A_998 = arith.constant 0 : index
    %swap3A_999 = vector.load %arg4[%swap3A_996, %swap3A_997, %swap3A_998] : memref<64x50x768xf32, #tpu.memory_space<vmem>>, vector<1x50x768xf32>
    %swap3A_1000 = vector.shape_cast %swap3A_999 : vector<1x50x768xf32> to vector<50x768xf32>
    %swap3A_1001 = vector.shape_cast %add3A_995 : vector<50x768xf32> to vector<1x50x768xf32>
    tpu.vector_store %arg4[%swap3A_996, %swap3A_997, %swap3A_998], %swap3A_1001 {strides = array<i32>} : memref<64x50x768xf32, #tpu.memory_space<vmem>>, vector<1x50x768xf32>,
    %get3A_1002 = arith.constant 2950 : index
    %get3A_1003 = arith.constant 0 : index
    %get3A_1004 = vector.load %arg1[%get3A_1002, %get3A_1003] : memref<3200x384xf32, #tpu.memory_space<vmem>>, vector<50x300xf32>
    %convert_element_type3A_1005 = arith.truncf %get3A_1004 : vector<50x300xf32> to vector<50x300xbf16>
    %dot_general3A_1006 = arith.constant dense<0.000000e+00> : vector<50x768xf32>
    %dot_general3A_1007 = tpu.matmul %convert_element_type3A_1005, %convert_element_type3A, %dot_general3A_1006 {dimension_numbers = #tpu.dot_dimension_numbers<[1], [0], [0], [1], [0, 0, 1, 1], [], []>, transpose_lhs_hint = false} : vector<50x300xbf16>, vector<300x768xbf16>, vector<50x768xf32> -> vector<50x768xf32>
    %get3A_1008 = arith.constant 0 : index
    %get3A_1009 = arith.constant 0 : index
    %get3A_1010 = vector.load %arg3[%get3A_1008, %get3A_1009] : memref<1x768xf32, #tpu.memory_space<vmem>>, vector<1x768xf32>
    %add3A_1011 = vector.broadcast %get3A_1010 : vector<1x768xf32> to vector<50x768xf32>
    %add3A_1012 = arith.addf %dot_general3A_1007, %add3A_1011 : vector<50x768xf32>
    %swap3A_1013 = arith.constant 59 : index
    %swap3A_1014 = arith.constant 0 : index
    %swap3A_1015 = arith.constant 0 : index
    %swap3A_1016 = vector.load %arg4[%swap3A_1013, %swap3A_1014, %swap3A_1015] : memref<64x50x768xf32, #tpu.memory_space<vmem>>, vector<1x50x768xf32>
    %swap3A_1017 = vector.shape_cast %swap3A_1016 : vector<1x50x768xf32> to vector<50x768xf32>
    %swap3A_1018 = vector.shape_cast %add3A_1012 : vector<50x768xf32> to vector<1x50x768xf32>
    tpu.vector_store %arg4[%swap3A_1013, %swap3A_1014, %swap3A_1015], %swap3A_1018 {strides = array<i32>} : memref<64x50x768xf32, #tpu.memory_space<vmem>>, vector<1x50x768xf32>,
    %get3A_1019 = arith.constant 3000 : index
    %get3A_1020 = arith.constant 0 : index
    %get3A_1021 = vector.load %arg1[%get3A_1019, %get3A_1020] : memref<3200x384xf32, #tpu.memory_space<vmem>>, vector<50x300xf32>
    %convert_element_type3A_1022 = arith.truncf %get3A_1021 : vector<50x300xf32> to vector<50x300xbf16>
    %dot_general3A_1023 = arith.constant dense<0.000000e+00> : vector<50x768xf32>
    %dot_general3A_1024 = tpu.matmul %convert_element_type3A_1022, %convert_element_type3A, %dot_general3A_1023 {dimension_numbers = #tpu.dot_dimension_numbers<[1], [0], [0], [1], [0, 0, 1, 1], [], []>, transpose_lhs_hint = false} : vector<50x300xbf16>, vector<300x768xbf16>, vector<50x768xf32> -> vector<50x768xf32>
    %get3A_1025 = arith.constant 0 : index
    %get3A_1026 = arith.constant 0 : index
    %get3A_1027 = vector.load %arg3[%get3A_1025, %get3A_1026] : memref<1x768xf32, #tpu.memory_space<vmem>>, vector<1x768xf32>
    %add3A_1028 = vector.broadcast %get3A_1027 : vector<1x768xf32> to vector<50x768xf32>
    %add3A_1029 = arith.addf %dot_general3A_1024, %add3A_1028 : vector<50x768xf32>
    %swap3A_1030 = arith.constant 60 : index
    %swap3A_1031 = arith.constant 0 : index
    %swap3A_1032 = arith.constant 0 : index
    %swap3A_1033 = vector.load %arg4[%swap3A_1030, %swap3A_1031, %swap3A_1032] : memref<64x50x768xf32, #tpu.memory_space<vmem>>, vector<1x50x768xf32>
    %swap3A_1034 = vector.shape_cast %swap3A_1033 : vector<1x50x768xf32> to vector<50x768xf32>
    %swap3A_1035 = vector.shape_cast %add3A_1029 : vector<50x768xf32> to vector<1x50x768xf32>
    tpu.vector_store %arg4[%swap3A_1030, %swap3A_1031, %swap3A_1032], %swap3A_1035 {strides = array<i32>} : memref<64x50x768xf32, #tpu.memory_space<vmem>>, vector<1x50x768xf32>,
    %get3A_1036 = arith.constant 3050 : index
    %get3A_1037 = arith.constant 0 : index
    %get3A_1038 = vector.load %arg1[%get3A_1036, %get3A_1037] : memref<3200x384xf32, #tpu.memory_space<vmem>>, vector<50x300xf32>
    %convert_element_type3A_1039 = arith.truncf %get3A_1038 : vector<50x300xf32> to vector<50x300xbf16>
    %dot_general3A_1040 = arith.constant dense<0.000000e+00> : vector<50x768xf32>
    %dot_general3A_1041 = tpu.matmul %convert_element_type3A_1039, %convert_element_type3A, %dot_general3A_1040 {dimension_numbers = #tpu.dot_dimension_numbers<[1], [0], [0], [1], [0, 0, 1, 1], [], []>, transpose_lhs_hint = false} : vector<50x300xbf16>, vector<300x768xbf16>, vector<50x768xf32> -> vector<50x768xf32>
    %get3A_1042 = arith.constant 0 : index
    %get3A_1043 = arith.constant 0 : index
    %get3A_1044 = vector.load %arg3[%get3A_1042, %get3A_1043] : memref<1x768xf32, #tpu.memory_space<vmem>>, vector<1x768xf32>
    %add3A_1045 = vector.broadcast %get3A_1044 : vector<1x768xf32> to vector<50x768xf32>
    %add3A_1046 = arith.addf %dot_general3A_1041, %add3A_1045 : vector<50x768xf32>
    %swap3A_1047 = arith.constant 61 : index
    %swap3A_1048 = arith.constant 0 : index
    %swap3A_1049 = arith.constant 0 : index
    %swap3A_1050 = vector.load %arg4[%swap3A_1047, %swap3A_1048, %swap3A_1049] : memref<64x50x768xf32, #tpu.memory_space<vmem>>, vector<1x50x768xf32>
    %swap3A_1051 = vector.shape_cast %swap3A_1050 : vector<1x50x768xf32> to vector<50x768xf32>
    %swap3A_1052 = vector.shape_cast %add3A_1046 : vector<50x768xf32> to vector<1x50x768xf32>
    tpu.vector_store %arg4[%swap3A_1047, %swap3A_1048, %swap3A_1049], %swap3A_1052 {strides = array<i32>} : memref<64x50x768xf32, #tpu.memory_space<vmem>>, vector<1x50x768xf32>,
    %get3A_1053 = arith.constant 3100 : index
    %get3A_1054 = arith.constant 0 : index
    %get3A_1055 = vector.load %arg1[%get3A_1053, %get3A_1054] : memref<3200x384xf32, #tpu.memory_space<vmem>>, vector<50x300xf32>
    %convert_element_type3A_1056 = arith.truncf %get3A_1055 : vector<50x300xf32> to vector<50x300xbf16>
    %dot_general3A_1057 = arith.constant dense<0.000000e+00> : vector<50x768xf32>
    %dot_general3A_1058 = tpu.matmul %convert_element_type3A_1056, %convert_element_type3A, %dot_general3A_1057 {dimension_numbers = #tpu.dot_dimension_numbers<[1], [0], [0], [1], [0, 0, 1, 1], [], []>, transpose_lhs_hint = false} : vector<50x300xbf16>, vector<300x768xbf16>, vector<50x768xf32> -> vector<50x768xf32>
    %get3A_1059 = arith.constant 0 : index
    %get3A_1060 = arith.constant 0 : index
    %get3A_1061 = vector.load %arg3[%get3A_1059, %get3A_1060] : memref<1x768xf32, #tpu.memory_space<vmem>>, vector<1x768xf32>
    %add3A_1062 = vector.broadcast %get3A_1061 : vector<1x768xf32> to vector<50x768xf32>
    %add3A_1063 = arith.addf %dot_general3A_1058, %add3A_1062 : vector<50x768xf32>
    %swap3A_1064 = arith.constant 62 : index
    %swap3A_1065 = arith.constant 0 : index
    %swap3A_1066 = arith.constant 0 : index
    %swap3A_1067 = vector.load %arg4[%swap3A_1064, %swap3A_1065, %swap3A_1066] : memref<64x50x768xf32, #tpu.memory_space<vmem>>, vector<1x50x768xf32>
    %swap3A_1068 = vector.shape_cast %swap3A_1067 : vector<1x50x768xf32> to vector<50x768xf32>
    %swap3A_1069 = vector.shape_cast %add3A_1063 : vector<50x768xf32> to vector<1x50x768xf32>
    tpu.vector_store %arg4[%swap3A_1064, %swap3A_1065, %swap3A_1066], %swap3A_1069 {strides = array<i32>} : memref<64x50x768xf32, #tpu.memory_space<vmem>>, vector<1x50x768xf32>,
    %get3A_1070 = arith.constant 3150 : index
    %get3A_1071 = arith.constant 0 : index
    %get3A_1072 = vector.load %arg1[%get3A_1070, %get3A_1071] : memref<3200x384xf32, #tpu.memory_space<vmem>>, vector<50x300xf32>
    %convert_element_type3A_1073 = arith.truncf %get3A_1072 : vector<50x300xf32> to vector<50x300xbf16>
    %dot_general3A_1074 = arith.constant dense<0.000000e+00> : vector<50x768xf32>
    %dot_general3A_1075 = tpu.matmul %convert_element_type3A_1073, %convert_element_type3A, %dot_general3A_1074 {dimension_numbers = #tpu.dot_dimension_numbers<[1], [0], [0], [1], [0, 0, 1, 1], [], []>, transpose_lhs_hint = false} : vector<50x300xbf16>, vector<300x768xbf16>, vector<50x768xf32> -> vector<50x768xf32>
    %get3A_1076 = arith.constant 0 : index
    %get3A_1077 = arith.constant 0 : index
    %get3A_1078 = vector.load %arg3[%get3A_1076, %get3A_1077] : memref<1x768xf32, #tpu.memory_space<vmem>>, vector<1x768xf32>
    %add3A_1079 = vector.broadcast %get3A_1078 : vector<1x768xf32> to vector<50x768xf32>
    %add3A_1080 = arith.addf %dot_general3A_1075, %add3A_1079 : vector<50x768xf32>
    %swap3A_1081 = arith.constant 63 : index
    %swap3A_1082 = arith.constant 0 : index
    %swap3A_1083 = arith.constant 0 : index
    %swap3A_1084 = vector.load %arg4[%swap3A_1081, %swap3A_1082, %swap3A_1083] : memref<64x50x768xf32, #tpu.memory_space<vmem>>, vector<1x50x768xf32>
    %swap3A_1085 = vector.shape_cast %swap3A_1084 : vector<1x50x768xf32> to vector<50x768xf32>
    %swap3A_1086 = vector.shape_cast %add3A_1080 : vector<50x768xf32> to vector<1x50x768xf32>
    tpu.vector_store %arg4[%swap3A_1081, %swap3A_1082, %swap3A_1083], %swap3A_1086 {strides = array<i32>} : memref<64x50x768xf32, #tpu.memory_space<vmem>>, vector<1x50x768xf32>,
    return
  }
  func.func @transform_0(%arg0: i32) -> (i32, i32) {
    %c0_i32 = arith.constant 0 : i32
    %c0_i32_0 = arith.constant 0 : i32
    return %arg0, %c0_i32 : i32, i32
  }
  func.func @transform_1(%arg0: i32) -> (i32, i32) {
    %c0_i32 = arith.constant 0 : i32
    %c0_i32_0 = arith.constant 0 : i32
    %c0_i32_1 = arith.constant 0 : i32
    return %c0_i32, %c0_i32_0 : i32, i32
  }
  func.func @transform_2(%arg0: i32) -> (i32, i32) {
    %c0_i32 = arith.constant 0 : i32
    %c0_i32_0 = arith.constant 0 : i32
    %c0_i32_1 = arith.constant 0 : i32
    return %c0_i32, %c0_i32_0 : i32, i32
  }
  func.func @transform_3(%arg0: i32) -> (i32, i32, i32) {
    %c0_i32 = arith.constant 0 : i32
    %c0_i32_0 = arith.constant 0 : i32
    %c0_i32_1 = arith.constant 0 : i32
    return %arg0, %c0_i32, %c0_i32_0 : i32, i32, i32
  }
}

</mosaic_0001>

<sc_bundles>
// kernel: kernel.4.cloned.1.call-start
scs
__scs_entry_jumppad:
0x0: {  	(pc) =	sbr.rel $0x88, $3  }
0x1: {  	(tag) =	ssettag $0x0;
	lr =	simm.s32 $0x1  }
0x2: {  	[smem:$0x3F9D] =	sst lr;
	_ =	strace $0xD0000000  }
0x3: {  	_ = 	snop  }
0x4: {  	_ = 	snop  }
0x5: {  	_ = 	snop  }
0x6: {  	_ = 	snop  }
0x7: {  	_ = 	snop  }
__scs_overlays_trampoline_lowered:
0x8: {  	[smem:$0x3FAC] =	sst s0  }
0x9: {  	[smem:$0x3FAD] =	sst s1  }
0xa: {  	[smem:$0x3FAE] =	sst s2  }
0xb: {  	[smem:$0x3FAF] =	sst s3  }
0xc: {  	[smem:$0x3FB0] =	sst s4  }
0xd: {  	[smem:$0x3FB1] =	sst s5  }
0xe: {  	[smem:$0x3FB2] =	sst s6  }
0xf: {  	[smem:$0x3FB3] =	sst s7  }
0x10: {  	[smem:$0x3FB4] =	sst s8  }
0x11: {  	[smem:$0x3FB5] =	sst s9;
	s0 =	simm.s32 @!p0 $0x0  }
0x12: {  	s1 =	sld [smem:$0x3F9B];
	s0 =	simm.s32 @p0 $0x1  }
0x13: {  	[smem:$0x3FB6] =	sst s0;
	s0 =	simm.s32 @!p1 $0x0  }
0x14: {  	s2 =	sld [smem:$0x3F9A];
	s0 =	simm.s32 @p1 $0x1  }
0x15: {  	[smem:$0x3FB7] =	sst s0;
	s0 =	simm.s32 @!p2 $0x0  }
0x16: {  	s3 =	sld [smem:$0x3FDB];
	s0 =	simm.s32 @p2 $0x1  }
0x17: {  	s4 =	simm.s32 $0x1BF5;
	[smem:$0x3FB9] =	sst s0  }
0x18: {  	s0 =	sld [smem:$0x3F9C];
	_ =	swait.ge [sflag:s4], $0x0  }
0x19: {  	s7 =	sld [smem:$0x3F9D]  }
0x1a: {  	s8 =	sadd.s32 $0xFFFFE003, lr  }
0x1b: {  	s9 =	sadd.s32 $0xFFFFFEF7, lr;
	s5 =	simm.s32 $0xFFFFFFFF;
	p2 =	slt.u32 s8, $0xFFFFF086  }
0x1c: {  	p1 =	slt.u32 s9, $0xF7A;
	s5 =	simm.s32 @!p2 $0x0  }
0x1d: {  	s5 =	simm.s32 @p1 $0x1;
	p0 =	seq.s32 s7, s2  }
0x1e: {  	s7 =	smul.u32 @!p0 $0xF7A, s2;
	p2 =	seq.s32 @!p0 s5, $0x0  }
0x1f: {  	s9 =	smul.u32 $0xF7A, s1;
	s8 =	simm.s32 @!p0 $0x1BF5;
	p2 =	por !p2, p0  }
0x20: {  	[sflag:s8] =	ssyncset.s32 @!p0 $0xFFFFF086;
	s6 =	sadd.s32 @!p0 s3, s7;
	s7 =	simm.s32 @!p0 $0x108  }
0x21: {  	s3 =	sadd.s32 s3, s9;
	s6 =	sadd.s32 @!p0 $0x88, s6;
	s7 =	simm.s32 @p2 $0x1082  }
0x22: {  	[simem:s7], [sflag:s8] =	dma.local @!p0 [hbm:s6], $0xF7A  }
0x23: {  	s9 =	sor.u32 $0xD0000000, s2;
	s6 =	simm.s32 $0x108;
	_ =	swait.ge @!p0 [sflag:s8], $0x0  }
0x24: {  	s3 =	sadd.s32 $0x88, s3;
	s6 =	simm.s32 @!p1 $0x1082;
	[sflag:s4] =	ssyncset.s32 $0xFFFFF086  }
0x25: {  	[simem:s6], [sflag:s4] =	dma.local [hbm:s3], $0xF7A  }
0x26: {  	[smem:$0x3F9D] =	sst s1;
	(tag) =	ssettag s2;
	_ =	strace s9  }
0x27: {  	s1 =	sld [smem:$0x3FAD]  }
0x28: {  	s2 =	sld [smem:$0x3FAE]  }
0x29: {  	s4 =	sld [smem:$0x3FB0]  }
0x2a: {  	p0 =	seq.s32 s5, $0x0;
	s5 =	sld [smem:$0x3FB1]  }
0x2b: {  	s6 =	sld [smem:$0x3FB2]  }
0x2c: {  	s7 =	sld [smem:$0x3FB3]  }
0x2d: {  	s3 =	simm.s32 $0x108;
	s8 =	sld [smem:$0x3FB4]  }
0x2e: {  	s3 =	simm.s32 @!p0 $0x1082;
	s9 =	sld [smem:$0x3FB5]  }
0x2f: {  	lr =	sadd.s32 s0, s3;
	s0 =	sld [smem:$0x3FAC]  }
0x30: {  	s3 =	sld [smem:$0x3FAF]  }
0x31: {  	[smem:$0x3FB8] =	sst s10  }
0x32: {  	s10 =	sld [smem:$0x3FB6];
	_ =	sdelay $0x3  }
0x33: {  	p0 =	seq.s32 s10, $0x1;
	s10 =	sld [smem:$0x3FB8];
	_ =	sdelay $0x3  }
0x34: {  	[smem:$0x3FB8] =	sst s10  }
0x35: {  	s10 =	sld [smem:$0x3FB7];
	_ =	sdelay $0x3  }
0x36: {  	p1 =	seq.s32 s10, $0x1;
	s10 =	sld [smem:$0x3FB8];
	_ =	sdelay $0x3  }
0x37: {  	[smem:$0x3FB8] =	sst s10  }
0x38: {  	s10 =	sld [smem:$0x3FB9]  }
0x39: {  	_ = 	snop;
	(pc) =	sbr.ind lr, $3  }
0x3a: {  	_ = 	snop  }
0x3b: {  	_ = 	snop  }
0x3c: {  	p2 =	seq.s32 s10, $0x1;
	s10 =	sld [smem:$0x3FB8]  }
0x3d: {  	_ =	shalt  }
0x3e: {  	_ =	shalt  }
0x3f: {  	_ =	shalt  }
0x40: {  	_ =	shalt  }
0x41: {  	_ =	shalt  }
0x42: {  	_ =	shalt  }
0x43: {  	_ =	shalt  }
0x44: {  	_ =	shalt  }
0x45: {  	_ =	shalt  }
0x46: {  	_ =	shalt  }
0x47: {  	_ =	shalt  }
0x48: {  	_ =	shalt  }
0x49: {  	_ =	shalt  }
0x4a: {  	_ =	shalt  }
0x4b: {  	_ =	shalt  }
0x4c: {  	_ =	shalt  }
0x4d: {  	_ =	shalt  }
0x4e: {  	_ =	shalt  }
0x4f: {  	_ =	shalt  }
0x50: {  	_ =	shalt  }
0x51: {  	_ =	shalt  }
0x52: {  	_ =	shalt  }
0x53: {  	_ =	shalt  }
0x54: {  	_ =	shalt  }
0x55: {  	_ =	shalt  }
0x56: {  	_ =	shalt  }
0x57: {  	_ =	shalt  }
0x58: {  	_ =	shalt  }
0x59: {  	_ =	shalt  }
0x5a: {  	_ =	shalt  }
0x5b: {  	_ =	shalt  }
0x5c: {  	_ =	shalt  }
0x5d: {  	_ =	shalt  }
0x5e: {  	_ =	shalt  }
0x5f: {  	_ =	shalt  }
0x60: {  	_ =	shalt  }
0x61: {  	_ =	shalt  }
0x62: {  	_ =	shalt  }
0x63: {  	_ =	shalt  }
0x64: {  	_ =	shalt  }
0x65: {  	_ =	shalt  }
0x66: {  	_ =	shalt  }
0x67: {  	_ =	shalt  }
0x68: {  	_ =	shalt  }
0x69: {  	_ =	shalt  }
0x6a: {  	_ =	shalt  }
0x6b: {  	_ =	shalt  }
0x6c: {  	_ =	shalt  }
0x6d: {  	_ =	shalt  }
0x6e: {  	_ =	shalt  }
0x6f: {  	_ =	shalt  }
0x70: {  	_ =	shalt  }
0x71: {  	_ =	shalt  }
0x72: {  	_ =	shalt  }
0x73: {  	_ =	shalt  }
0x74: {  	_ =	shalt  }
0x75: {  	_ =	shalt  }
0x76: {  	_ =	shalt  }
0x77: {  	_ =	shalt  }
0x78: {  	_ =	shalt  }
0x79: {  	_ =	shalt  }
0x7a: {  	_ =	shalt  }
0x7b: {  	_ =	shalt  }
0x7c: {  	_ =	shalt  }
0x7d: {  	_ =	shalt  }
0x7e: {  	_ =	shalt  }
0x7f: {  	_ =	shalt  }
0x80: {  	_ =	shalt  }
0x81: {  	_ =	shalt  }
0x82: {  	_ =	shalt  }
0x83: {  	_ =	shalt  }
0x84: {  	_ =	shalt  }
0x85: {  	_ =	shalt  }
0x86: {  	_ =	shalt  }
0x87: {  	_ =	shalt  }
.Lfunc_end0:
.L_simem_size_0:
called_computation_lowered:
.L_overlay_start_0:
0x88: {  	s2 =	sld [smem:$0x3FD9]  }
0x89: {  	s3 =	sld [smem:$0x3FFE];
	_ =	sdelay $0x1  }
0x8a: {  	s1 =	srdreg.scid  }
0x8b: {  	s0 =	sand.u32 $0x1, s1  }
0x8c: {  	s17 =	sshll.u32 s0, $0xA;
	s2 =	sadd.s32 s3, s2  }
0x8d: {  	s2 =	sadd.s32 s2, s17  }
0x8e: {  	[smem:$0x3FC4] =	sst s2  }
0x8f: {  	_ = 	snop  }
0x90: {  	s2 =	sld [smem:$0x3FD0];
	(tm) =	ssettm $0x1  }
0x91: {  	s18 =	sld [smem:$0x3FFB];
	_ =	sdelay $0x3  }
0x92: {  	_ =	strace s18  }
0x93: {  	s3 =	sld [smem:$0x3FFC];
	_ =	sdelay $0x3  }
0x94: {  	_ =	strace s3  }
0x95: {  	s3 =	sld [smem:$0x3FFD];
	_ =	sdelay $0x3  }
0x96: {  	_ =	strace s3  }
0x97: {  	_ =	strace $0x8FFFFFFF  }
0x98: {  	s19 =	sld [smem:$0x3FDB];
	_ =	sdelay $0x1  }
0x99: {  	s4 =	simm.s32 $_scs_section_size  }
0x9a: {  	s5 =	simm.s32 $_size__tile_overlayer_lowered;
	s6 =	simm.s32 $_tile_overlayer_lowered  }
0x9b: {  	s22 =	simm.s32 $0x1BFF;
	s21 =	sshll.u32 s6, $0x1;
	s3 =	sadd.s32 s4, s19  }
0x9c: {  	s7 =	simm.s32 $0x0;
	s20 =	sshll.u32 s5, $0x1;
	s5 =	sadd.s32 s21, s3  }
0x9d: {  	[timem:s7], [sflag:s22] =	dma.local [hbm:s5], s20  }
0x9e: {  	_ =	swait.ge [sflag:s22], s20  }
0x9f: {  	s4 =	ssub.s32 $0x0, s20;
	[sflag:s22] =	ssyncset.done $0x0  }
0xa0: {  	[sflag:s22] =	ssyncadd.s32 s4;
	_ =	sdelay $0x1  }
0xa1: {  	s23 =	simm.s32 $0x1B8B  }
0xa2: {  	_ =	swait.ge [sflag:s23], $0x1  }
0xa3: {  	[sflag:s23] =	ssyncset.done $0x0  }
0xa4: {  	s25 =	simm.s32 $0x1B8E;
	s24 =	sld [smem:$0x3FFE];
	[sflag:s23] =	ssyncadd.s32 $0xFFFFFFFF  }
0xa5: {  	s26 =	simm.s32 $execute0_lowered;
	[smem:$0x3FD2] =	sst s25  }
0xa6: {  	s5 =	sshll.u32 s26, $0x1;
	_ =	strace $0x80000046;
	[dreg:$0x1] =	wrdreg $0xFFFFFFFF  }
0xa7: {  	s28 =	simm.s32 $_size_execute0_lowered;
	s3 =	sadd.s32 s3, s5;
	[dreg:$0x0] =	wrdreg $0x0  }
0xa8: {  	s5 =	sshll.u32 s28, $0x1;
	[dreg:$0x2] =	wrdreg s3  }
0xa9: {  	[dreg:$0x3] =	wrdreg s5  }
0xaa: {  	[dreg:$0x4] =	wrdreg $0xC0  }
0xab: {  	_ =	task [dreg:s7], $0x5FFFF  }
0xac: {  	[dreg:$0x1] =	wrdreg $0xFFFFFFFF  }
0xad: {  	[dreg:$0x0] =	wrdreg $0x60  }
0xae: {  	[dreg:$0x2] =	wrdreg s2  }
0xaf: {  	[dreg:$0x3] =	wrdreg s24  }
0xb0: {  	[dreg:$0x4] =	wrdreg $0x9  }
0xb1: {  	_ =	task.clear_ibuf [dreg:s7], $0x5FFFF;
	_ =	strace $0x90000046  }
0xb2: {  	s29 =	simm.s32 $0x9;
	_ =	strace $0x80000048  }
0xb3: {  	_ =	swait.ge [sflag:s29], $0x1  }
0xb4: {  	[sflag:s29] =	ssyncadd.s32 $0xFFFFFFFF  }
0xb5: {  	_ =	strace $0x90000048  }
0xb6: {  	_ =	sfence  }
0xb7: {  	s30 =	sld [smem:$0x0];
	_ =	sdelay $0x2  }
0xb8: {  	s31 =	sshll.u32 s1, $0xD;
	s1 =	sshrl.u32 s1, $0x2  }
0xb9: {  	s3 =	sand.u32 $0x4000, s31;
	s1 =	sadd.s32 s1, s30  }
0xba: {  	s0 =	sor.u32 s3, s0;
	s1 =	sshll.u32 s1, $0x11  }
0xbb: {  	s0 =	sor.u32 s1, s0  }
0xbc: {  	s0 =	sadd.s32 $0x8F2B, s0  }
0xbd: {  	[sflag:s0] =	ssyncadd.remote.s32 $0x1  }
0xbe: {  	_ =	sfence.sel $0xFFFF  }
0xbf: {  	[dreg:$0x0] =	wrdreg $0xFFFFFFFF;
	(pc) =	sbr.abs _section_cstart, $3  }
0xc0: {  	[dreg:$0x1] =	wrdreg $0xFFFFFFFF  }
0xc1: {  	_ =	task.clear_ibuf [dreg:s7], $0x2FFFF;
	_ =	strace $0x9FFFFFFF  }
0xc2: {  	(tm) =	ssettm $0x7FFFFFFF  }
0xc3: {  	_ =	shalt  }
tec
execute0_lowered:
.L_overlay_start_1:
0x0: {  	(tag) =	ssettag $0x1  }
0x1: {  	s0 =	srdreg.scid;
	s2 =	rddreg [dreg:$0x0]  }
0x2: {  	s5 =	stileid.u32;
	s4 =	rddreg [dreg:$0x1];
	s8 =	simm.s32 $0x3  }
0x3: {  	s30 =	simm.s32 $0x10E80;
	s31 =	simm.s32 $0x11680;
	s9 =	simm.s32 $0x12680  }
0x4: {  	s10 =	simm.s32 $0x12E80;
	s11 =	simm.s32 $0x13280;
	s12 =	simm.s32 $0x13A80  }
0x5: {  	s13 =	simm.s32 $0x13E80;
	s14 =	simm.s32 $0x14680;
	s15 =	simm.s32 $0x14A80  }
0x6: {  	s16 =	simm.s32 $0x15280;
	s17 =	simm.s32 $0x15680;
	s18 =	simm.s32 $0x15E80  }
0x7: {  	s19 =	simm.s32 $0x16280;
	s20 =	simm.s32 $0x16A80;
	s21 =	simm.s32 $0x2  }
0x8: {  	s0 =	sand.u32 $0x1, s0;
	s1 =	smul.u32 $0xC80, s5;
	s5 =	sshll.u32 s5, $0x1  }
0x9: {  	s22 =	simm.s32 $0x1;
	s3 =	smul.u32 $0x640, s0;
	s5 =	sor.u32 s0, s5  }
0xa: {  	s23 =	simm.s32 $0x0;
	s0 =	ssub.s32 $0x2, s0;
	s5 =	smul.u32 $0x640, s5  }
0xb: {  	s29 =	sshrl.u32 s0, $0x1;
	s1 =	sadd.s32 s3, s1;
	s3 =	simm.s32 $0x0  }
.Ltmp0:
0xc: {  	s0 =	ssub.s32 s0, s29;
	s1 =	sshrl.u32 s1, $0x3;
	(pc) =	sbr.rel .LBB2_1-.Ltmp0, $4  }
0xd: {  	[smem:$0x7FF] =	sst s3;
	s5 =	sshrl.u32 s5, $0x3;
	s1 =	smul.u32 $0x180, s1  }
0xe: {  	v2 =	vlaneseq.u32;
	s6 =	smax.u32 s0, $0x1;
	s0 =	simm.s32 $0x12280;
	s5 =	sadd.s32 s5, s4  }
0xf: {  	vm0 =	vmmov $0xffff;
	vm1 =	vmmov $0xff;
	v1 =	vshrl.u32 v2, $0x3;
	_ =	strace $0x80000047;
	s1 =	sadd.s32 s1, s4;
	s4 =	sadd.s32 $0x800, s5  }
0x10: {  	v0 =	vand.u32 $0x7, v2;
	v2 =	vor.u32 $0x8, v2;
	v1 =	vmul.u32 $0x8, v1;
	s5 =	sadd.s32 $0x100, s2;
	s25 =	sadd.s32 $0x2200, s1;
	s1 =	simm.s32 $0x11A80  }
.LBB2_7:
0x11: {  	_ =	swait.ge [sflag:s21], $0x7800  }
0x12: {  	[sflag:s21] =	ssyncset.done $0x0  }
0x13: {  	[sflag:s21] =	ssyncadd.s32 $0xFFFF8800  }
0x14: {  	_ =	swait.ge [sflag:s21], $0x7800  }
0x15: {  	[sflag:s21] =	ssyncset.done $0x0  }
0x16: {  	s23 =	sadd.s32 $0x1, s23;
	[sflag:s21] =	ssyncadd.s32 $0xFFFF8800  }
0x17: {  	p0 =	sne.s32 s23, s6;
	_ =	swait.ge [sflag:s21], $0x7800  }
.Ltmp1:
0x18: {  	[sflag:s21] =	ssyncset.done $0x0;
	(pc) =	sbr.rel @!p0 .LBB2_8-.Ltmp1, $4  }
0x19: {  	[sflag:s21] =	ssyncadd.s32 $0xFFFF8800  }
0x1a: {  	_ =	swait.ge [sflag:s21], $0x7800  }
0x1b: {  	[sflag:s21] =	ssyncset.done $0x0  }
0x1c: {  	[sflag:s21] =	ssyncadd.s32 $0xFFFF8800  }
.LBB2_1:
0x1d: {  	[tilespmem:s3], [sflag:$0x3] =	stream.linear.gather [hbm4b:s4+s3], $0x640, $0x38;
	[tilespmem:$0x1E680] =	vst v63  }
0x1e: {  	_ =	swait.ge [sflag:s8], $0x640  }
0x1f: {  	[sflag:s8] =	ssyncset.done $0x0  }
0x20: {  	[sflag:s8] =	ssyncadd.s32 $0xFFFFF9C0  }
0x21: {  	v3 =	vld [tilespmem:$0x0];
	_ =	sdelay $0x4  }
0x22: {  	v4 =	vshrl.u32 v3, $0x3  }
0x23: {  	v4 =	vmul.u32 $0x18, v4  }
0x24: {  	v3 =	vand.u32 $0x7, v3  }
0x25: {  	v3 =	vor.u32 v3, v4  }
0x26: {  	v4 =	vperm.xlane v3, v0;
	_ =	sdelay $0x1  }
0x27: {  	v4 =	vadd.s32 v1, v4;
	_ =	sdelay $0x1  }
0x28: {  	v3 =	vperm.xlane v3, v2;
	_ =	sdelay $0x1  }
0x29: {  	s7 =	simm.s32 $0x680;
	v3 =	vadd.s32 v1, v3  }
0x2a: {  	[tilespmem:s7], [sflag:$0x1] =	stream.indirect_vreg.gather [hbm4b:s2+s3], $0x80, v4, vm0, $0xb8;
	[tilespmem:$0x1E680] =	vst v63  }
0x2b: {  	s29 =	simm.s32 $0xE80  }
0x2c: {  	[tilespmem:s29], [sflag:$0x1] =	stream.indirect_vreg.gather [hbm4b:s5+s3], $0x80, v4, vm1, $0xb8;
	[tilespmem:$0x1E680] =	vst v63  }
0x2d: {  	s24 =	simm.s32 $0x1280  }
0x2e: {  	[tilespmem:s24], [sflag:$0x1] =	stream.indirect_vreg.gather [hbm4b:s2+s3], $0x80, v3, vm0, $0xb8;
	[tilespmem:$0x1E680] =	vst v63  }
0x2f: {  	s26 =	simm.s32 $0x1A80  }
0x30: {  	[tilespmem:s26], [sflag:$0x1] =	stream.indirect_vreg.gather [hbm4b:s5+s3], $0x80, v3, vm1, $0xb8;
	[tilespmem:$0x1E680] =	vst v63  }
0x31: {  	v3 =	vld [tilespmem:$0x10];
	_ =	sdelay $0x4  }
0x32: {  	v50 =	vshrl.u32 v3, $0x3  }
0x33: {  	v4 =	vmul.u32 $0x18, v50  }
0x34: {  	v3 =	vand.u32 $0x7, v3  }
0x35: {  	v3 =	vor.u32 v3, v4  }
0x36: {  	v4 =	vperm.xlane v3, v0;
	_ =	sdelay $0x1  }
0x37: {  	v4 =	vadd.s32 v1, v4;
	_ =	sdelay $0x1  }
0x38: {  	v3 =	vperm.xlane v3, v2;
	_ =	sdelay $0x1  }
0x39: {  	s29 =	simm.s32 $0x1E80;
	v3 =	vadd.s32 v1, v3  }
0x3a: {  	[tilespmem:s29], [sflag:$0x1] =	stream.indirect_vreg.gather [hbm4b:s2+s3], $0x80, v4, vm0, $0xb8;
	[tilespmem:$0x1E680] =	vst v63  }
0x3b: {  	s24 =	simm.s32 $0x2680  }
0x3c: {  	[tilespmem:s24], [sflag:$0x1] =	stream.indirect_vreg.gather [hbm4b:s5+s3], $0x80, v4, vm1, $0xb8;
	[tilespmem:$0x1E680] =	vst v63  }
0x3d: {  	s26 =	simm.s32 $0x2A80  }
0x3e: {  	[tilespmem:s26], [sflag:$0x1] =	stream.indirect_vreg.gather [hbm4b:s2+s3], $0x80, v3, vm0, $0xb8;
	[tilespmem:$0x1E680] =	vst v63  }
0x3f: {  	s29 =	simm.s32 $0x3280  }
0x40: {  	[tilespmem:s29], [sflag:$0x1] =	stream.indirect_vreg.gather [hbm4b:s5+s3], $0x80, v3, vm1, $0xb8;
	[tilespmem:$0x1E680] =	vst v63  }
0x41: {  	v3 =	vld [tilespmem:$0x20];
	_ =	sdelay $0x4  }
0x42: {  	v51 =	vshrl.u32 v3, $0x3  }
0x43: {  	v4 =	vmul.u32 $0x18, v51  }
0x44: {  	v3 =	vand.u32 $0x7, v3  }
0x45: {  	v3 =	vor.u32 v3, v4  }
0x46: {  	v4 =	vperm.xlane v3, v0;
	_ =	sdelay $0x1  }
0x47: {  	v4 =	vadd.s32 v1, v4;
	_ =	sdelay $0x1  }
0x48: {  	v3 =	vperm.xlane v3, v2;
	_ =	sdelay $0x1  }
0x49: {  	s24 =	simm.s32 $0x3680;
	v3 =	vadd.s32 v1, v3  }
0x4a: {  	[tilespmem:s24], [sflag:$0x1] =	stream.indirect_vreg.gather [hbm4b:s2+s3], $0x80, v4, vm0, $0xb8;
	[tilespmem:$0x1E680] =	vst v63  }
0x4b: {  	s26 =	simm.s32 $0x3E80  }
0x4c: {  	[tilespmem:s26], [sflag:$0x1] =	stream.indirect_vreg.gather [hbm4b:s5+s3], $0x80, v4, vm1, $0xb8;
	[tilespmem:$0x1E680] =	vst v63  }
0x4d: {  	s29 =	simm.s32 $0x4280  }
0x4e: {  	[tilespmem:s29], [sflag:$0x1] =	stream.indirect_vreg.gather [hbm4b:s2+s3], $0x80, v3, vm0, $0xb8;
	[tilespmem:$0x1E680] =	vst v63  }
0x4f: {  	s24 =	simm.s32 $0x4A80  }
0x50: {  	[tilespmem:s24], [sflag:$0x1] =	stream.indirect_vreg.gather [hbm4b:s5+s3], $0x80, v3, vm1, $0xb8;
	[tilespmem:$0x1E680] =	vst v63  }
0x51: {  	v3 =	vld [tilespmem:$0x30];
	_ =	sdelay $0x4  }
0x52: {  	v52 =	vshrl.u32 v3, $0x3  }
0x53: {  	v4 =	vmul.u32 $0x18, v52  }
0x54: {  	v3 =	vand.u32 $0x7, v3  }
0x55: {  	v3 =	vor.u32 v3, v4  }
0x56: {  	v4 =	vperm.xlane v3, v0;
	_ =	sdelay $0x1  }
0x57: {  	v4 =	vadd.s32 v1, v4;
	_ =	sdelay $0x1  }
0x58: {  	v3 =	vperm.xlane v3, v2;
	_ =	sdelay $0x1  }
0x59: {  	s26 =	simm.s32 $0x4E80;
	v3 =	vadd.s32 v1, v3  }
0x5a: {  	[tilespmem:s26], [sflag:$0x1] =	stream.indirect_vreg.gather [hbm4b:s2+s3], $0x80, v4, vm0, $0xb8;
	[tilespmem:$0x1E680] =	vst v63  }
0x5b: {  	s29 =	simm.s32 $0x5680  }
0x5c: {  	[tilespmem:s29], [sflag:$0x1] =	stream.indirect_vreg.gather [hbm4b:s5+s3], $0x80, v4, vm1, $0xb8;
	[tilespmem:$0x1E680] =	vst v63  }
0x5d: {  	s24 =	simm.s32 $0x5A80  }
0x5e: {  	[tilespmem:s24], [sflag:$0x1] =	stream.indirect_vreg.gather [hbm4b:s2+s3], $0x80, v3, vm0, $0xb8;
	[tilespmem:$0x1E680] =	vst v63  }
0x5f: {  	s26 =	simm.s32 $0x6280  }
0x60: {  	[tilespmem:s26], [sflag:$0x1] =	stream.indirect_vreg.gather [hbm4b:s5+s3], $0x80, v3, vm1, $0xb8;
	[tilespmem:$0x1E680] =	vst v63  }
0x61: {  	v3 =	vld [tilespmem:$0x40];
	_ =	sdelay $0x4  }
0x62: {  	v53 =	vshrl.u32 v3, $0x3  }
0x63: {  	v4 =	vmul.u32 $0x18, v53  }
0x64: {  	v3 =	vand.u32 $0x7, v3  }
0x65: {  	v3 =	vor.u32 v3, v4  }
0x66: {  	v4 =	vperm.xlane v3, v0;
	_ =	sdelay $0x1  }
0x67: {  	v4 =	vadd.s32 v1, v4;
	_ =	sdelay $0x1  }
0x68: {  	v3 =	vperm.xlane v3, v2;
	_ =	sdelay $0x1  }
0x69: {  	s29 =	simm.s32 $0x6680;
	v3 =	vadd.s32 v1, v3  }
0x6a: {  	[tilespmem:s29], [sflag:$0x1] =	stream.indirect_vreg.gather [hbm4b:s2+s3], $0x80, v4, vm0, $0xb8;
	[tilespmem:$0x1E680] =	vst v63  }
0x6b: {  	s24 =	simm.s32 $0x6E80  }
0x6c: {  	[tilespmem:s24], [sflag:$0x1] =	stream.indirect_vreg.gather [hbm4b:s5+s3], $0x80, v4, vm1, $0xb8;
	[tilespmem:$0x1E680] =	vst v63  }
0x6d: {  	s26 =	simm.s32 $0x7280  }
0x6e: {  	[tilespmem:s26], [sflag:$0x1] =	stream.indirect_vreg.gather [hbm4b:s2+s3], $0x80, v3, vm0, $0xb8;
	[tilespmem:$0x1E680] =	vst v63  }
0x6f: {  	s29 =	simm.s32 $0x7A80  }
0x70: {  	[tilespmem:s29], [sflag:$0x1] =	stream.indirect_vreg.gather [hbm4b:s5+s3], $0x80, v3, vm1, $0xb8;
	[tilespmem:$0x1E680] =	vst v63  }
0x71: {  	v3 =	vld [tilespmem:$0x50];
	_ =	sdelay $0x4  }
0x72: {  	v54 =	vshrl.u32 v3, $0x3  }
0x73: {  	v4 =	vmul.u32 $0x18, v54  }
0x74: {  	v3 =	vand.u32 $0x7, v3  }
0x75: {  	v3 =	vor.u32 v3, v4  }
0x76: {  	v4 =	vperm.xlane v3, v0;
	_ =	sdelay $0x1  }
0x77: {  	v4 =	vadd.s32 v1, v4;
	_ =	sdelay $0x1  }
0x78: {  	v3 =	vperm.xlane v3, v2;
	_ =	sdelay $0x1  }
0x79: {  	s24 =	simm.s32 $0x7E80;
	v3 =	vadd.s32 v1, v3  }
0x7a: {  	[tilespmem:s24], [sflag:$0x1] =	stream.indirect_vreg.gather [hbm4b:s2+s3], $0x80, v4, vm0, $0xb8;
	[tilespmem:$0x1E680] =	vst v63  }
0x7b: {  	s26 =	simm.s32 $0x8680  }
0x7c: {  	[tilespmem:s26], [sflag:$0x1] =	stream.indirect_vreg.gather [hbm4b:s5+s3], $0x80, v4, vm1, $0xb8;
	[tilespmem:$0x1E680] =	vst v63  }
0x7d: {  	s29 =	simm.s32 $0x8A80  }
0x7e: {  	[tilespmem:s29], [sflag:$0x1] =	stream.indirect_vreg.gather [hbm4b:s2+s3], $0x80, v3, vm0, $0xb8;
	[tilespmem:$0x1E680] =	vst v63  }
0x7f: {  	s24 =	simm.s32 $0x9280  }
0x80: {  	[tilespmem:s24], [sflag:$0x1] =	stream.indirect_vreg.gather [hbm4b:s5+s3], $0x80, v3, vm1, $0xb8;
	[tilespmem:$0x1E680] =	vst v63  }
0x81: {  	v3 =	vld [tilespmem:$0x60];
	_ =	sdelay $0x4  }
0x82: {  	v55 =	vshrl.u32 v3, $0x3  }
0x83: {  	v4 =	vmul.u32 $0x18, v55  }
0x84: {  	v3 =	vand.u32 $0x7, v3  }
0x85: {  	v3 =	vor.u32 v3, v4  }
0x86: {  	v4 =	vperm.xlane v3, v0;
	_ =	sdelay $0x1  }
0x87: {  	v4 =	vadd.s32 v1, v4;
	_ =	sdelay $0x1  }
0x88: {  	v3 =	vperm.xlane v3, v2;
	_ =	sdelay $0x1  }
0x89: {  	s26 =	simm.s32 $0x9680;
	v3 =	vadd.s32 v1, v3  }
0x8a: {  	[tilespmem:s26], [sflag:$0x1] =	stream.indirect_vreg.gather [hbm4b:s2+s3], $0x80, v4, vm0, $0xb8;
	[tilespmem:$0x1E680] =	vst v63  }
0x8b: {  	s29 =	simm.s32 $0x9E80  }
0x8c: {  	[tilespmem:s29], [sflag:$0x1] =	stream.indirect_vreg.gather [hbm4b:s5+s3], $0x80, v4, vm1, $0xb8;
	[tilespmem:$0x1E680] =	vst v63  }
0x8d: {  	s24 =	simm.s32 $0xA280  }
0x8e: {  	[tilespmem:s24], [sflag:$0x1] =	stream.indirect_vreg.gather [hbm4b:s2+s3], $0x80, v3, vm0, $0xb8;
	[tilespmem:$0x1E680] =	vst v63  }
0x8f: {  	s26 =	simm.s32 $0xAA80  }
0x90: {  	[tilespmem:s26], [sflag:$0x1] =	stream.indirect_vreg.gather [hbm4b:s5+s3], $0x80, v3, vm1, $0xb8;
	[tilespmem:$0x1E680] =	vst v63  }
0x91: {  	v3 =	vld [tilespmem:$0x70];
	_ =	sdelay $0x4  }
0x92: {  	v56 =	vshrl.u32 v3, $0x3  }
0x93: {  	v4 =	vmul.u32 $0x18, v56  }
0x94: {  	v3 =	vand.u32 $0x7, v3  }
0x95: {  	v3 =	vor.u32 v3, v4  }
0x96: {  	v4 =	vperm.xlane v3, v0;
	_ =	sdelay $0x1  }
0x97: {  	v4 =	vadd.s32 v1, v4;
	_ =	sdelay $0x1  }
0x98: {  	v3 =	vperm.xlane v3, v2;
	_ =	sdelay $0x1  }
0x99: {  	s29 =	simm.s32 $0xAE80;
	v3 =	vadd.s32 v1, v3  }
0x9a: {  	[tilespmem:s29], [sflag:$0x1] =	stream.indirect_vreg.gather [hbm4b:s2+s3], $0x80, v4, vm0, $0xb8;
	[tilespmem:$0x1E680] =	vst v63  }
0x9b: {  	s24 =	simm.s32 $0xB680  }
0x9c: {  	[tilespmem:s24], [sflag:$0x1] =	stream.indirect_vreg.gather [hbm4b:s5+s3], $0x80, v4, vm1, $0xb8;
	[tilespmem:$0x1E680] =	vst v63  }
0x9d: {  	s26 =	simm.s32 $0xBA80  }
0x9e: {  	[tilespmem:s26], [sflag:$0x1] =	stream.indirect_vreg.gather [hbm4b:s2+s3], $0x80, v3, vm0, $0xb8;
	[tilespmem:$0x1E680] =	vst v63  }
0x9f: {  	s29 =	simm.s32 $0xC280  }
0xa0: {  	[tilespmem:s29], [sflag:$0x1] =	stream.indirect_vreg.gather [hbm4b:s5+s3], $0x80, v3, vm1, $0xb8;
	[tilespmem:$0x1E680] =	vst v63  }
0xa1: {  	v3 =	vld [tilespmem:$0x80];
	_ =	sdelay $0x4  }
0xa2: {  	v57 =	vshrl.u32 v3, $0x3  }
0xa3: {  	v4 =	vmul.u32 $0x18, v57  }
0xa4: {  	v3 =	vand.u32 $0x7, v3  }
0xa5: {  	v3 =	vor.u32 v3, v4  }
0xa6: {  	v4 =	vperm.xlane v3, v0;
	_ =	sdelay $0x1  }
0xa7: {  	v4 =	vadd.s32 v1, v4;
	_ =	sdelay $0x1  }
0xa8: {  	v3 =	vperm.xlane v3, v2;
	_ =	sdelay $0x1  }
0xa9: {  	s24 =	simm.s32 $0xC680;
	v3 =	vadd.s32 v1, v3  }
0xaa: {  	[tilespmem:s24], [sflag:$0x1] =	stream.indirect_vreg.gather [hbm4b:s2+s3], $0x80, v4, vm0, $0xb8;
	[tilespmem:$0x1E680] =	vst v63  }
0xab: {  	s26 =	simm.s32 $0xCE80  }
0xac: {  	[tilespmem:s26], [sflag:$0x1] =	stream.indirect_vreg.gather [hbm4b:s5+s3], $0x80, v4, vm1, $0xb8;
	[tilespmem:$0x1E680] =	vst v63  }
0xad: {  	s29 =	simm.s32 $0xD280  }
0xae: {  	[tilespmem:s29], [sflag:$0x1] =	stream.indirect_vreg.gather [hbm4b:s2+s3], $0x80, v3, vm0, $0xb8;
	[tilespmem:$0x1E680] =	vst v63  }
0xaf: {  	s24 =	simm.s32 $0xDA80  }
0xb0: {  	[tilespmem:s24], [sflag:$0x1] =	stream.indirect_vreg.gather [hbm4b:s5+s3], $0x80, v3, vm1, $0xb8;
	[tilespmem:$0x1E680] =	vst v63  }
0xb1: {  	v3 =	vld [tilespmem:$0x90];
	_ =	sdelay $0x4  }
0xb2: {  	v58 =	vshrl.u32 v3, $0x3  }
0xb3: {  	v4 =	vmul.u32 $0x18, v58  }
0xb4: {  	v3 =	vand.u32 $0x7, v3  }
0xb5: {  	v3 =	vor.u32 v3, v4  }
0xb6: {  	v4 =	vperm.xlane v3, v0;
	_ =	sdelay $0x1  }
0xb7: {  	v4 =	vadd.s32 v1, v4;
	_ =	sdelay $0x1  }
0xb8: {  	v3 =	vperm.xlane v3, v2;
	_ =	sdelay $0x1  }
0xb9: {  	s26 =	simm.s32 $0xDE80;
	v3 =	vadd.s32 v1, v3  }
0xba: {  	[tilespmem:s26], [sflag:$0x1] =	stream.indirect_vreg.gather [hbm4b:s2+s3], $0x80, v4, vm0, $0xb8;
	[tilespmem:$0x1E680] =	vst v63  }
0xbb: {  	s29 =	simm.s32 $0xE680  }
0xbc: {  	[tilespmem:s29], [sflag:$0x1] =	stream.indirect_vreg.gather [hbm4b:s5+s3], $0x80, v4, vm1, $0xb8;
	[tilespmem:$0x1E680] =	vst v63  }
0xbd: {  	s24 =	simm.s32 $0xEA80  }
0xbe: {  	[tilespmem:s24], [sflag:$0x1] =	stream.indirect_vreg.gather [hbm4b:s2+s3], $0x80, v3, vm0, $0xb8;
	[tilespmem:$0x1E680] =	vst v63  }
0xbf: {  	s26 =	simm.s32 $0xF280  }
0xc0: {  	[tilespmem:s26], [sflag:$0x1] =	stream.indirect_vreg.gather [hbm4b:s5+s3], $0x80, v3, vm1, $0xb8;
	[tilespmem:$0x1E680] =	vst v63  }
0xc1: {  	v3 =	vld [tilespmem:$0xA0];
	_ =	sdelay $0x4  }
0xc2: {  	v59 =	vshrl.u32 v3, $0x3  }
0xc3: {  	v4 =	vmul.u32 $0x18, v59  }
0xc4: {  	v3 =	vand.u32 $0x7, v3  }
0xc5: {  	v3 =	vor.u32 v3, v4  }
0xc6: {  	v4 =	vperm.xlane v3, v0;
	_ =	sdelay $0x1  }
0xc7: {  	v4 =	vadd.s32 v1, v4;
	_ =	sdelay $0x1  }
0xc8: {  	v3 =	vperm.xlane v3, v2;
	_ =	sdelay $0x1  }
0xc9: {  	s29 =	simm.s32 $0xF680;
	v3 =	vadd.s32 v1, v3  }
0xca: {  	[tilespmem:s29], [sflag:$0x1] =	stream.indirect_vreg.gather [hbm4b:s2+s3], $0x80, v4, vm0, $0xb8;
	[tilespmem:$0x1E680] =	vst v63  }
0xcb: {  	s24 =	simm.s32 $0xFE80  }
0xcc: {  	[tilespmem:s24], [sflag:$0x1] =	stream.indirect_vreg.gather [hbm4b:s5+s3], $0x80, v4, vm1, $0xb8;
	[tilespmem:$0x1E680] =	vst v63  }
0xcd: {  	s26 =	simm.s32 $0x10280  }
0xce: {  	[tilespmem:s26], [sflag:$0x1] =	stream.indirect_vreg.gather [hbm4b:s2+s3], $0x80, v3, vm0, $0xb8;
	[tilespmem:$0x1E680] =	vst v63  }
0xcf: {  	s29 =	simm.s32 $0x10A80  }
0xd0: {  	[tilespmem:s29], [sflag:$0x1] =	stream.indirect_vreg.gather [hbm4b:s5+s3], $0x80, v3, vm1, $0xb8;
	[tilespmem:$0x1E680] =	vst v63  }
0xd1: {  	v3 =	vld [tilespmem:$0xB0];
	_ =	sdelay $0x4  }
0xd2: {  	v60 =	vshrl.u32 v3, $0x3  }
0xd3: {  	v4 =	vmul.u32 $0x18, v60  }
0xd4: {  	v3 =	vand.u32 $0x7, v3  }
0xd5: {  	v3 =	vor.u32 v3, v4  }
0xd6: {  	v4 =	vperm.xlane v3, v0;
	_ =	sdelay $0x1  }
0xd7: {  	v4 =	vadd.s32 v1, v4;
	_ =	sdelay $0x1  }
0xd8: {  	v3 =	vperm.xlane v3, v2;
	_ =	sdelay $0x1  }
0xd9: {  	v3 =	vadd.s32 v1, v3  }
0xda: {  	[tilespmem:s30], [sflag:$0x1] =	stream.indirect_vreg.gather [hbm4b:s2+s3], $0x80, v4, vm0, $0xb8;
	[tilespmem:$0x1E680] =	vst v63  }
0xdb: {  	_ = 	snop  }
0xdc: {  	[tilespmem:s31], [sflag:$0x1] =	stream.indirect_vreg.gather [hbm4b:s5+s3], $0x80, v4, vm1, $0xb8;
	[tilespmem:$0x1E680] =	vst v63  }
0xdd: {  	_ = 	snop  }
0xde: {  	[tilespmem:s1], [sflag:$0x1] =	stream.indirect_vreg.gather [hbm4b:s2+s3], $0x80, v3, vm0, $0xb8;
	[tilespmem:$0x1E680] =	vst v63  }
0xdf: {  	_ = 	snop  }
0xe0: {  	[tilespmem:s0], [sflag:$0x1] =	stream.indirect_vreg.gather [hbm4b:s5+s3], $0x80, v3, vm1, $0xb8;
	[tilespmem:$0x1E680] =	vst v63  }
0xe1: {  	v3 =	vld [tilespmem:$0xC0];
	_ =	sdelay $0x4  }
0xe2: {  	v61 =	vshrl.u32 v3, $0x3  }
0xe3: {  	v4 =	vmul.u32 $0x18, v61  }
0xe4: {  	v3 =	vand.u32 $0x7, v3  }
0xe5: {  	v3 =	vor.u32 v3, v4  }
0xe6: {  	v4 =	vperm.xlane v3, v0;
	_ =	sdelay $0x1  }
0xe7: {  	v4 =	vadd.s32 v1, v4;
	_ =	sdelay $0x1  }
0xe8: {  	v3 =	vperm.xlane v3, v2;
	_ =	sdelay $0x1  }
0xe9: {  	v3 =	vadd.s32 v1, v3  }
0xea: {  	[tilespmem:s9], [sflag:$0x1] =	stream.indirect_vreg.gather [hbm4b:s2+s3], $0x80, v4, vm0, $0xb8;
	[tilespmem:$0x1E680] =	vst v63  }
0xeb: {  	_ = 	snop  }
0xec: {  	[tilespmem:s10], [sflag:$0x1] =	stream.indirect_vreg.gather [hbm4b:s5+s3], $0x80, v4, vm1, $0xb8;
	[tilespmem:$0x1E680] =	vst v63  }
0xed: {  	_ = 	snop  }
0xee: {  	[tilespmem:s11], [sflag:$0x1] =	stream.indirect_vreg.gather [hbm4b:s2+s3], $0x80, v3, vm0, $0xb8;
	[tilespmem:$0x1E680] =	vst v63  }
0xef: {  	_ = 	snop  }
0xf0: {  	[tilespmem:s12], [sflag:$0x1] =	stream.indirect_vreg.gather [hbm4b:s5+s3], $0x80, v3, vm1, $0xb8;
	[tilespmem:$0x1E680] =	vst v63  }
0xf1: {  	v3 =	vld [tilespmem:$0xD0];
	_ =	sdelay $0x4  }
0xf2: {  	v62 =	vshrl.u32 v3, $0x3  }
0xf3: {  	v4 =	vmul.u32 $0x18, v62  }
0xf4: {  	v3 =	vand.u32 $0x7, v3  }
0xf5: {  	v3 =	vor.u32 v3, v4  }
0xf6: {  	v4 =	vperm.xlane v3, v0;
	_ =	sdelay $0x1  }
0xf7: {  	v4 =	vadd.s32 v1, v4;
	_ =	sdelay $0x1  }
0xf8: {  	v3 =	vperm.xlane v3, v2;
	_ =	sdelay $0x1  }
0xf9: {  	v3 =	vadd.s32 v1, v3  }
0xfa: {  	[tilespmem:s13], [sflag:$0x1] =	stream.indirect_vreg.gather [hbm4b:s2+s3], $0x80, v4, vm0, $0xb8;
	[tilespmem:$0x1E680] =	vst v63  }
0xfb: {  	_ = 	snop  }
0xfc: {  	[tilespmem:s14], [sflag:$0x1] =	stream.indirect_vreg.gather [hbm4b:s5+s3], $0x80, v4, vm1, $0xb8;
	[tilespmem:$0x1E680] =	vst v63  }
0xfd: {  	_ = 	snop  }
0xfe: {  	[tilespmem:s15], [sflag:$0x1] =	stream.indirect_vreg.gather [hbm4b:s2+s3], $0x80, v3, vm0, $0xb8;
	[tilespmem:$0x1E680] =	vst v63  }
0xff: {  	_ = 	snop  }
0x100: {  	[tilespmem:s16], [sflag:$0x1] =	stream.indirect_vreg.gather [hbm4b:s5+s3], $0x80, v3, vm1, $0xb8;
	[tilespmem:$0x1E680] =	vst v63  }
0x101: {  	v3 =	vld [tilespmem:$0xE0];
	_ =	sdelay $0x4  }
0x102: {  	v63 =	vshrl.u32 v3, $0x3  }
0x103: {  	v4 =	vmul.u32 $0x18, v63  }
0x104: {  	v3 =	vand.u32 $0x7, v3  }
0x105: {  	v3 =	vor.u32 v3, v4  }
0x106: {  	v4 =	vperm.xlane v3, v0;
	_ =	sdelay $0x1  }
0x107: {  	v4 =	vadd.s32 v1, v4;
	_ =	sdelay $0x2  }
0x108: {  	v3 =	vperm.xlane v3, v2;
	_ =	sdelay $0x1  }
0x109: {  	v3 =	vadd.s32 v1, v3;
	[tilespmem:s17], [sflag:$0x1] =	stream.indirect_vreg.gather [hbm4b:s2+s3], $0x80, v4, vm0, $0xb8;
	[tilespmem:$0x1E680] =	vst v63  }
0x10a: {  	_ = 	snop  }
0x10b: {  	[tilespmem:s18], [sflag:$0x1] =	stream.indirect_vreg.gather [hbm4b:s5+s3], $0x80, v4, vm1, $0xb8;
	[tilespmem:$0x1E680] =	vst v63  }
.Ltmp2:
0x10c: {  	_ = 	snop;
	(pc) =	sbr.rel .LBB2_2-.Ltmp2, $4  }
0x10d: {  	_ = 	snop  }
0x10e: {  	[tilespmem:s19], [sflag:$0x1] =	stream.indirect_vreg.gather [hbm4b:s2+s3], $0x80, v3, vm0, $0xb8;
	[tilespmem:$0x1E680] =	vst v63  }
0x10f: {  	s28 =	simm.s32 $0xFFFFFFFF;
	s7 =	smov.u32 s25;
	s24 =	simm.s32 $0x130  }
0x110: {  	[tilespmem:s20], [sflag:$0x1] =	stream.indirect_vreg.gather [hbm4b:s5+s3], $0x80, v3, vm1, $0xb8;
	[tilespmem:$0x1E680] =	vst v63  }
.LBB2_3:
0x111: {  	_ =	swait.ge [sflag:s21], $0x7800  }
0x112: {  	[sflag:s21] =	ssyncset.done $0x0  }
0x113: {  	[sflag:s21] =	ssyncadd.s32 $0xFFFF8800  }
.LBB2_5:
0x114: {  	v3 =	vld [tilespmem:s24+$0xFFFFFFC0];
	_ =	sdelay $0x4  }
0x115: {  	v4 =	vshrl.u32 v3, $0x3  }
0x116: {  	v4 =	vmul.u32 $0x18, v4  }
0x117: {  	v3 =	vand.u32 $0x7, v3  }
0x118: {  	v3 =	vor.u32 v3, v4  }
0x119: {  	v4 =	vperm.xlane v3, v0  }
0x11a: {  	s28 =	sadd.s32 $0x4, s28  }
0x11b: {  	s28 =	sand.u32 $0x3, s28;
	v4 =	vadd.s32 v1, v4  }
0x11c: {  	s28 =	smul.u32 $0x1E000, s28  }
0x11d: {  	v3 =	vperm.xlane v3, v2  }
0x11e: {  	s28 =	sshrl.u32 s28, $0x2  }
0x11f: {  	s29 =	sor.u32 $0x680, s28;
	v3 =	vadd.s32 v1, v3  }
0x120: {  	[tilespmem:s29], [sflag:$0x1] =	stream.indirect_vreg.gather [hbm4b:s2+s3], $0x80, v4, vm0, $0xb8;
	[tilespmem:$0x1E680] =	vst v63  }
0x121: {  	s29 =	sadd.s32 $0xE80, s28  }
0x122: {  	[tilespmem:s29], [sflag:$0x1] =	stream.indirect_vreg.gather [hbm4b:s5+s3], $0x80, v4, vm1, $0xb8;
	[tilespmem:$0x1E680] =	vst v63  }
0x123: {  	s29 =	sadd.s32 $0x1280, s28  }
0x124: {  	[tilespmem:s29], [sflag:$0x1] =	stream.indirect_vreg.gather [hbm4b:s2+s3], $0x80, v3, vm0, $0xb8;
	[tilespmem:$0x1E680] =	vst v63  }
0x125: {  	s29 =	sadd.s32 $0x1A80, s28  }
0x126: {  	[tilespmem:s29], [sflag:$0x1] =	stream.indirect_vreg.gather [hbm4b:s5+s3], $0x80, v3, vm1, $0xb8;
	[tilespmem:$0x1E680] =	vst v63  }
0x127: {  	v3 =	vld [tilespmem:s24+$0xFFFFFFD0];
	_ =	sdelay $0x4  }
0x128: {  	v60 =	vshrl.u32 v3, $0x3  }
0x129: {  	v4 =	vmul.u32 $0x18, v60  }
0x12a: {  	v3 =	vand.u32 $0x7, v3  }
0x12b: {  	v3 =	vor.u32 v3, v4  }
0x12c: {  	v4 =	vperm.xlane v3, v0;
	_ =	sdelay $0x1  }
0x12d: {  	v4 =	vadd.s32 v1, v4;
	_ =	sdelay $0x1  }
0x12e: {  	v3 =	vperm.xlane v3, v2;
	_ =	sdelay $0x1  }
0x12f: {  	s29 =	sadd.s32 $0x1E80, s28;
	v3 =	vadd.s32 v1, v3  }
0x130: {  	[tilespmem:s29], [sflag:$0x1] =	stream.indirect_vreg.gather [hbm4b:s2+s3], $0x80, v4, vm0, $0xb8;
	[tilespmem:$0x1E680] =	vst v63  }
0x131: {  	s29 =	sadd.s32 $0x2680, s28  }
0x132: {  	[tilespmem:s29], [sflag:$0x1] =	stream.indirect_vreg.gather [hbm4b:s5+s3], $0x80, v4, vm1, $0xb8;
	[tilespmem:$0x1E680] =	vst v63  }
0x133: {  	s29 =	sadd.s32 $0x2A80, s28  }
0x134: {  	[tilespmem:s29], [sflag:$0x1] =	stream.indirect_vreg.gather [hbm4b:s2+s3], $0x80, v3, vm0, $0xb8;
	[tilespmem:$0x1E680] =	vst v63  }
0x135: {  	s29 =	sadd.s32 $0x3280, s28  }
0x136: {  	[tilespmem:s29], [sflag:$0x1] =	stream.indirect_vreg.gather [hbm4b:s5+s3], $0x80, v3, vm1, $0xb8;
	[tilespmem:$0x1E680] =	vst v63  }
0x137: {  	v3 =	vld [tilespmem:s24+$0xFFFFFFE0];
	_ =	sdelay $0x4  }
0x138: {  	v61 =	vshrl.u32 v3, $0x3  }
0x139: {  	v4 =	vmul.u32 $0x18, v61  }
0x13a: {  	v3 =	vand.u32 $0x7, v3  }
0x13b: {  	v3 =	vor.u32 v3, v4  }
0x13c: {  	v4 =	vperm.xlane v3, v0;
	_ =	sdelay $0x1  }
0x13d: {  	v4 =	vadd.s32 v1, v4;
	_ =	sdelay $0x1  }
0x13e: {  	v3 =	vperm.xlane v3, v2;
	_ =	sdelay $0x1  }
0x13f: {  	s29 =	sadd.s32 $0x3680, s28;
	v3 =	vadd.s32 v1, v3  }
0x140: {  	[tilespmem:s29], [sflag:$0x1] =	stream.indirect_vreg.gather [hbm4b:s2+s3], $0x80, v4, vm0, $0xb8;
	[tilespmem:$0x1E680] =	vst v63  }
0x141: {  	s29 =	sadd.s32 $0x3E80, s28  }
0x142: {  	[tilespmem:s29], [sflag:$0x1] =	stream.indirect_vreg.gather [hbm4b:s5+s3], $0x80, v4, vm1, $0xb8;
	[tilespmem:$0x1E680] =	vst v63  }
0x143: {  	s29 =	sadd.s32 $0x4280, s28  }
0x144: {  	[tilespmem:s29], [sflag:$0x1] =	stream.indirect_vreg.gather [hbm4b:s2+s3], $0x80, v3, vm0, $0xb8;
	[tilespmem:$0x1E680] =	vst v63  }
0x145: {  	s29 =	sadd.s32 $0x4A80, s28  }
0x146: {  	[tilespmem:s29], [sflag:$0x1] =	stream.indirect_vreg.gather [hbm4b:s5+s3], $0x80, v3, vm1, $0xb8;
	[tilespmem:$0x1E680] =	vst v63  }
0x147: {  	v3 =	vld [tilespmem:s24+$0xFFFFFFF0];
	_ =	sdelay $0x4  }
0x148: {  	v62 =	vshrl.u32 v3, $0x3  }
0x149: {  	v4 =	vmul.u32 $0x18, v62  }
0x14a: {  	v3 =	vand.u32 $0x7, v3  }
0x14b: {  	v3 =	vor.u32 v3, v4  }
0x14c: {  	v4 =	vperm.xlane v3, v0;
	_ =	sdelay $0x1  }
0x14d: {  	v4 =	vadd.s32 v1, v4;
	_ =	sdelay $0x1  }
0x14e: {  	v3 =	vperm.xlane v3, v2;
	_ =	sdelay $0x1  }
0x14f: {  	s29 =	sadd.s32 $0x4E80, s28;
	v3 =	vadd.s32 v1, v3  }
0x150: {  	[tilespmem:s29], [sflag:$0x1] =	stream.indirect_vreg.gather [hbm4b:s2+s3], $0x80, v4, vm0, $0xb8;
	[tilespmem:$0x1E680] =	vst v63  }
0x151: {  	s29 =	sadd.s32 $0x5680, s28  }
0x152: {  	[tilespmem:s29], [sflag:$0x1] =	stream.indirect_vreg.gather [hbm4b:s5+s3], $0x80, v4, vm1, $0xb8;
	[tilespmem:$0x1E680] =	vst v63  }
0x153: {  	s29 =	sadd.s32 $0x5A80, s28  }
0x154: {  	[tilespmem:s29], [sflag:$0x1] =	stream.indirect_vreg.gather [hbm4b:s2+s3], $0x80, v3, vm0, $0xb8;
	[tilespmem:$0x1E680] =	vst v63  }
0x155: {  	s29 =	sadd.s32 $0x6280, s28  }
0x156: {  	[tilespmem:s29], [sflag:$0x1] =	stream.indirect_vreg.gather [hbm4b:s5+s3], $0x80, v3, vm1, $0xb8;
	[tilespmem:$0x1E680] =	vst v63  }
0x157: {  	v3 =	vld [tilespmem:s24+$0x0];
	_ =	sdelay $0x4  }
0x158: {  	v63 =	vshrl.u32 v3, $0x3  }
0x159: {  	v4 =	vmul.u32 $0x18, v63  }
0x15a: {  	v3 =	vand.u32 $0x7, v3  }
0x15b: {  	v3 =	vor.u32 v3, v4  }
0x15c: {  	v4 =	vperm.xlane v3, v0;
	_ =	sdelay $0x1  }
0x15d: {  	v4 =	vadd.s32 v1, v4;
	_ =	sdelay $0x1  }
0x15e: {  	v3 =	vperm.xlane v3, v2;
	_ =	sdelay $0x1  }
0x15f: {  	s29 =	sadd.s32 $0x6680, s28;
	v3 =	vadd.s32 v1, v3  }
0x160: {  	[tilespmem:s29], [sflag:$0x1] =	stream.indirect_vreg.gather [hbm4b:s2+s3], $0x80, v4, vm0, $0xb8;
	[tilespmem:$0x1E680] =	vst v63  }
0x161: {  	s29 =	sadd.s32 $0x6E80, s28  }
0x162: {  	[tilespmem:s29], [sflag:$0x1] =	stream.indirect_vreg.gather [hbm4b:s5+s3], $0x80, v4, vm1, $0xb8;
	[tilespmem:$0x1E680] =	vst v63  }
0x163: {  	s29 =	sadd.s32 $0x7280, s28  }
0x164: {  	[tilespmem:s29], [sflag:$0x1] =	stream.indirect_vreg.gather [hbm4b:s2+s3], $0x80, v3, vm0, $0xb8;
	[tilespmem:$0x1E680] =	vst v63  }
0x165: {  	s28 =	sadd.s32 $0x7A80, s28  }
0x166: {  	[tilespmem:s28], [sflag:$0x1] =	stream.indirect_vreg.gather [hbm4b:s5+s3], $0x80, v3, vm1, $0xb8;
	[tilespmem:$0x1E680] =	vst v63  }
.LBB2_6:
0x167: {  	s28 =	sand.u32 $0x3, s26  }
0x168: {  	p0 =	sne.s32 s26, $0x13;
	s28 =	smul.u32 $0x1E000, s28  }
.Ltmp3:
0x169: {  	_ =	swait.ge [sflag:s22], $0x7800;
	(pc) =	sbr.rel @!p0 .LBB2_7-.Ltmp3, $4  }
0x16a: {  	[sflag:s22] =	ssyncset.done $0x0;
	s28 =	sshrl.u32 s28, $0x2  }
0x16b: {  	[sflag:s22] =	ssyncadd.s32 $0xFFFF8800;
	s28 =	sor.u32 $0x680, s28  }
0x16c: {  	[hbm4b:s7+s3] =	stream.linear.scatter [tilespmem:s28], [sflag:$0x2], $0x7800, $0x38;
	[tilespmem:$0x1E680] =	vst v63  }
0x16d: {  	s24 =	sadd.s32 $0x50, s24;
	s7 =	sadd.s32 $0xF00, s7;
	s28 =	smov.u32 s26  }
.LBB2_2:
0x16e: {  	p0 =	sgt.u32 s28, $0xF  }
.Ltmp4:
0x16f: {  	_ = 	snop;
	(pc) =	sbr.rel @!p0 .LBB2_3-.Ltmp4, $2  }
0x170: {  	_ =	sdelay $0x2  }
0x171: {  	s26 =	sadd.s32 $0x1, s28  }
0x172: {  	p0 =	sgt.u32 s26, $0x10  }
.Ltmp5:
0x173: {  	_ = 	snop;
	(pc) =	sbr.rel @p0 .LBB2_6-.Ltmp5, $4  }
.Ltmp6:
0x174: {  	_ = 	snop;
	(pc) =	sbr.rel @!p0 .LBB2_5-.Ltmp6, $4  }
0x175: {  	_ = 	snop  }
0x176: {  	_ = 	snop  }
0x177: {  	_ = 	snop  }
0x178: {  	_ = 	snop  }
.LBB2_8:
0x179: {  	_ =	sfence.sel $0x180000  }
0x17a: {  	[bflag:$0x0] =	sbarrier.arrive $0xFFFF  }
0x17b: {  	_ =	strace $0x90000047  }
0x17c: {  	s0 =	stileid.u32;
	[bflag:$0x2] =	sbarrier.arrive $0xFFFF  }
0x17d: {  	p0 =	sne.s32 s0, $0x0;
	s0 =	rddreg [dreg:$0x2]  }
0x17e: {  	s0 =	sadd.s32 @!p0 $0x100000, s0  }
0x17f: {  	[sflag:s0] =	ssyncadd.tile.s32 @!p0 $0x1;
	_ =	shalt  }
.Lfunc_end2:
_tile_overlayer_lowered:
.L_overlay_start_2:
0x180: {  	(tag) =	ssettag $0x2  }
0x181: {  	s0 =	rddreg [dreg:$0x0];
	s2 =	stileid.u32  }
0x182: {  	s1 =	rddreg [dreg:$0x1];
	p0 =	sne.s32 s2, $0x0  }
0x183: {  	s3 =	rddreg [dreg:$0x2];
	[bflag:$0x3] =	sbarrier.arrive $0xFFFF;
	s2 =	simm.s32 @!p0 $0x1C03  }
0x184: {  	[timem:s3], [sflag:s2] =	dma.local @!p0 [hbm:s0], s1  }
0x185: {  	s0 =	simm.s32 @!p0 $0x3  }
0x186: {  	_ =	swait.ge @!p0 [sflag:s0], s1  }
0x187: {  	s1 =	ssub.s32 @!p0 $0x0, s1;
	[sflag:s0] =	ssyncset.done @!p0 $0x0  }
0x188: {  	[sflag:s0] =	ssyncadd.s32 @!p0 s1  }
0x189: {  	[bflag:$0x3] =	sbarrier.arrive $0xFFFF  }
0x18a: {  	_ =	shalt  }

</sc_bundles>
